<compile_context>
chip_gen: v7x
topology: tpu7x:2x2x1
jax: 0.10.2.dev20260603
libtpu: 0.0.44.dev20260713+nightly
codegen_flags: <defaults>
</compile_context>

<pallas_src>
import functools

import jax
import jax.numpy as jnp
from jax import lax
from jax.experimental import pallas as pl
from jax.experimental.pallas import tpu as pltpu
from jax.experimental.pallas import tpu_sc as plsc

_NC, _NS, _LANES = 2, 16, 16
_NW = _NC * _NS
_SP = 208
_UNROLL = 10


def _scalars_body(V, T, S, tok_ref, attn_ref, ctx_ref, din_ref, dout_ref,
                  wc_ref, wo_ref, wi_ref, bsum_ref,
                  sv_ref, bv_ref, idx_ref, val_ref):
    cdims = (((1,), (1,)), ((), ()))
    z = (lax.dot_general(ctx_ref[...], wc_ref[...], cdims,
                         preferred_element_type=jnp.float32)
         + lax.dot_general(dout_ref[...], wo_ref[...], cdims,
                           preferred_element_type=jnp.float32)
         + lax.dot_general(din_ref[...], wi_ref[...], cdims,
                           preferred_element_type=jnp.float32)
         + bsum_ref[...])
    p = jax.nn.sigmoid(z)

    B = tok_ref.shape[0]
    rows_lt_cols = (lax.broadcasted_iota(jnp.int32, (S, S), 0)
                    < lax.broadcasted_iota(jnp.int32, (S, S), 1))
    for b in range(B):
        tok = tok_ref[b, :]
        eq = (tok[:, None] == tok[None, :]).astype(jnp.float32)
        c = lax.dot_general(attn_ref[b], eq, (((1,), (0,)), ((), ())),
                            preferred_element_type=jnp.float32)
        dup = jnp.sum(eq * rows_lt_cols.astype(jnp.float32), axis=0)
        first = (dup == 0.0).astype(jnp.float32)
        nzero = jnp.float32(V) - jnp.sum(first)
        m = jnp.maximum(jnp.max(c, axis=1), 0.0)
        se = (nzero * jnp.exp(-m)
              + jnp.sum(first[None, :] * jnp.exp(c - m[:, None]), axis=1))
        lse = m + jnp.log(se)
        pb = p[b * T:(b + 1) * T, 0]
        q = 1.0 - pb
        rows = slice(b * T, (b + 1) * T)
        sv_ref[rows, :] = jnp.broadcast_to(pb[:, None], (T, _LANES))
        bv_ref[rows, :] = jnp.broadcast_to((-(q * lse))[:, None], (T, _LANES))
        s_all = lax.broadcasted_iota(jnp.int32, (T, _SP), 1)
        tokp = jnp.concatenate([tok, jnp.zeros((_SP - S,), jnp.int32)])
        firstp = jnp.concatenate([first, jnp.zeros((_SP - S,), jnp.float32)])
        tokp2 = jnp.broadcast_to(tokp[None, :], (T, _SP))
        firstp2 = jnp.broadcast_to(firstp[None, :], (T, _SP))
        idx_ref[rows, :] = jnp.where(firstp2 > 0.0, tokp2,
                                     V + (s_all & (_LANES - 1)))
        cpad = jnp.concatenate([c, jnp.zeros((T, _SP - S), jnp.float32)], 1)
        val_ref[rows, :] = q[:, None] * cpad * firstp2


def _sc_body(V, RPW, vocab_hbm, sv_hbm, bv_hbm, idx_hbm, val_hbm, out_hbm,
             buf, sv5, bv5, idx5, val5):
    wid = lax.axis_index("s") * _NC + lax.axis_index("c")
    return
    pltpu.sync_copy(sv_hbm.at[wid], sv5)
    pltpu.sync_copy(bv_hbm.at[wid], bv5)
    pltpu.sync_copy(idx_hbm.at[wid], idx5)
    pltpu.sync_copy(val_hbm.at[wid], val5)
    for r in range(RPW):
        off = pl.multiple_of((wid * RPW + r) * V, 8)
        pltpu.sync_copy(vocab_hbm.at[pl.ds(off, V)], buf.at[pl.ds(0, V)])
        s = sv5[r, :]
        t = bv5[r, :]

        @plsc.parallel_loop(0, V, _LANES, unroll=_UNROLL)
        def _affine(i, s=s, t=t):
            sl = pl.ds(i, _LANES)
            buf[sl] = buf[sl] * s + t
        for j in range(_SP // _LANES):
            iv = idx5[r, pl.ds(j * _LANES, _LANES)]
            vv = val5[r, pl.ds(j * _LANES, _LANES)]
            plsc.addupdate_scatter(buf, [iv], vv, mask=iv >= 0)
        pltpu.sync_copy(buf.at[pl.ds(0, V)], out_hbm.at[pl.ds(off, V)])


def kernel(input_tokens, context, decoder_input, decoder_output, vocab_dist,
           attn_dist, encoder_outputs, w_c, b_c, w_o, b_o, w_i, b_i):
    B, S = input_tokens.shape
    _, T, V = vocab_dist.shape
    H = context.shape[2]
    BT = B * T
    RPW = BT // _NW
    f32 = jnp.float32

    tok = input_tokens.astype(jnp.int32)
    ctx2 = context.reshape(BT, H)
    din2 = decoder_input.reshape(BT, H)
    dout2 = decoder_output.reshape(BT, H)
    bsum = (b_c + b_o + b_i).reshape(1, 1).astype(f32)

    scalars = pl.pallas_call(
        functools.partial(_scalars_body, V, T, S),
        out_shape=[
            jax.ShapeDtypeStruct((BT, _LANES), f32),
            jax.ShapeDtypeStruct((BT, _LANES), f32),
            jax.ShapeDtypeStruct((BT, _SP), jnp.int32),
            jax.ShapeDtypeStruct((BT, _SP), f32),
        ],
    )
    sv, bv, idx, val = scalars(
        tok, attn_dist, ctx2, din2, dout2,
        w_c.astype(f32), w_o.astype(f32), w_i.astype(f32), bsum)

    mesh = plsc.VectorSubcoreMesh(core_axis_name="c", subcore_axis_name="s",
                                  num_cores=_NC, num_subcores=_NS)
    sc_merge = pl.kernel(
        functools.partial(_sc_body, V, RPW),
        out_type=jax.ShapeDtypeStruct((B, T, V), f32),
        mesh=mesh,
        compiler_params=pltpu.CompilerParams(needs_layout_passes=False),
        scratch_types=[
            pltpu.VMEM((V + _LANES,), f32),
            pltpu.VMEM((RPW, _LANES), f32),
            pltpu.VMEM((RPW, _LANES), f32),
            pltpu.VMEM((RPW, _SP), jnp.int32),
            pltpu.VMEM((RPW, _SP), f32),
        ],
    )
    out = sc_merge(vocab_dist,
                   sv.reshape(_NW, RPW, _LANES), bv.reshape(_NW, RPW, _LANES),
                   idx.reshape(_NW, RPW, _SP), val.reshape(_NW, RPW, _SP))
    return out

# --- scband reference (transcript-rebuilt; emitter-appended) ---
"""Pipeline reference for scband-pointer-gen-38122129719662 (READ-ONLY COPY).

The authoritative reference and input builder live on the scoring server;
editing this copy changes nothing except your own understanding.
"""

import jax, jax.numpy as jnp
import numpy as np

B, T, S, V, H = 8, 20, 200, 100000, 256


def setup_inputs(seed: int = 0) -> dict:
    key = jax.random.key(seed)
    ks = jax.random.split(key, 14)
    input_tokens = jax.random.randint(ks[0], (B, S), 0, V, dtype=jnp.int64) if jax.config.jax_enable_x64 else jax.random.randint(ks[0], (B, S), 0, V, dtype=jnp.int32)
    context = jax.random.normal(ks[1], (B, T, H), dtype=jnp.float32)
    decoder_input = jax.random.normal(ks[2], (B, T, H), dtype=jnp.float32)
    decoder_output = jax.random.normal(ks[3], (B, T, H), dtype=jnp.float32)
    vocab_dist = jax.random.uniform(ks[4], (B, T, V), dtype=jnp.float32)
    attn_dist = jax.random.uniform(ks[5], (B, T, S), dtype=jnp.float32)
    encoder_outputs = jax.random.normal(ks[6], (B, S, H), dtype=jnp.float32)
    # learned params: three Linear(H, 1) layers
    w_c = jax.random.normal(ks[7], (1, H), dtype=jnp.float32) * 0.02
    b_c = jnp.zeros((1,), dtype=jnp.float32)
    w_o = jax.random.normal(ks[8], (1, H), dtype=jnp.float32) * 0.02
    b_o = jnp.zeros((1,), dtype=jnp.float32)
    w_i = jax.random.normal(ks[9], (1, H), dtype=jnp.float32) * 0.02
    b_i = jnp.zeros((1,), dtype=jnp.float32)
    return {
        'input_tokens': input_tokens,
        'context': context,
        'decoder_input': decoder_input,
        'decoder_output': decoder_output,
        'vocab_dist': vocab_dist,
        'attn_dist': attn_dist,
        'encoder_outputs': encoder_outputs,
        'w_c': w_c, 'b_c': b_c,
        'w_o': w_o, 'b_o': b_o,
        'w_i': w_i, 'b_i': b_i,
    }


def reference(input_tokens, context, decoder_input, decoder_output, vocab_dist,
              attn_dist, encoder_outputs, w_c, b_c, w_o, b_o, w_i, b_i):
    # PackedSequence pad/unpad is a no-op here: we operate on padded dense arrays.
    # p_gen = sigmoid(Linear(context) + Linear(decoder_output) + Linear(decoder_input))
    p_gen = jax.nn.sigmoid(
        context @ w_c.T + b_c
        + decoder_output @ w_o.T + b_o
        + decoder_input @ w_i.T + b_i
    )  # [B, T, 1]
    # copy_dist = scatter_add(zeros[B,T,V], dim=2, index=tokens[B,1,S]->[B,T,S], src=attn_dist)
    def scatter_one(tok, a):
        return jnp.zeros((V,), dtype=vocab_dist.dtype).at[tok].add(a)
    copy_dist = jax.vmap(lambda tok, a_bt: jax.vmap(lambda a: scatter_one(tok, a))(a_bt))(input_tokens, attn_dist)  # [B, T, V]
    final_dist = vocab_dist * p_gen + (1.0 - p_gen) * jax.nn.log_softmax(copy_dist, axis=2)
    return final_dist

if __name__ == "__main__":
    import jax
    _d = setup_inputs()
    print(jax.jit(kernel)(*tuple(_d.values())))

</pallas_src>

<mosaic_0001>
#map = affine_map<(d0, d1) -> (0, 0, 0)>
module attributes {stable_mosaic.version = 14 : i64} {
  func.func @_sc_body(%arg0: i32, %arg1: i32, %arg2: memref<8x20x100000xf32, #tpu.memory_space<hbm>>, %arg3: memref<32x5x16xf32, #tpu.memory_space<hbm>>, %arg4: memref<32x5x16xf32, #tpu.memory_space<hbm>>, %arg5: memref<32x5x208xi32, #tpu.memory_space<hbm>>, %arg6: memref<32x5x208xf32, #tpu.memory_space<hbm>>, %arg7: memref<8x20x100000xf32, #tpu.memory_space<hbm>>, %arg8: memref<100016xf32, #tpu.memory_space<vmem>>, %arg9: memref<5x16xf32, #tpu.memory_space<vmem>>, %arg10: memref<5x16xf32, #tpu.memory_space<vmem>>, %arg11: memref<5x208xi32, #tpu.memory_space<vmem>>, %arg12: memref<5x208xf32, #tpu.memory_space<vmem>>) attributes {dimension_semantics = [#tpu.dimension_semantics<core_parallel>, #tpu.dimension_semantics<subcore_parallel>], iteration_bounds = array<i64: 2, 16>, scalar_prefetch = 0 : i64, scratch_operands = 5 : i64, tpu.core_type = #tpu.core_type<sc_vector_subcore>, window_params = [{transform_indices = #map}, {transform_indices = #map}, {transform_indices = #map}, {transform_indices = #map}, {transform_indices = #map}, {transform_indices = #map}]} {
    %mul3A = arith.constant 2 : i32
    %mul3A_0 = arith.muli %arg1, %mul3A : i32
    %add3A = arith.addi %mul3A_0, %arg0 : i32
    return
  }
}

module attributes {stable_mosaic.version = 14 : i64} {
  func.func @_scalars_body(%arg0: memref<8x200xi32, #tpu.memory_space<vmem>>, %arg1: memref<8x20x200xf32, #tpu.memory_space<vmem>>, %arg2: memref<160x256xf32, #tpu.memory_space<vmem>>, %arg3: memref<160x256xf32, #tpu.memory_space<vmem>>, %arg4: memref<160x256xf32, #tpu.memory_space<vmem>>, %arg5: memref<1x256xf32, #tpu.memory_space<vmem>>, %arg6: memref<1x256xf32, #tpu.memory_space<vmem>>, %arg7: memref<1x256xf32, #tpu.memory_space<vmem>>, %arg8: memref<1x1xf32, #tpu.memory_space<vmem>>, %arg9: memref<160x16xf32, #tpu.memory_space<vmem>>, %arg10: memref<160x16xf32, #tpu.memory_space<vmem>>, %arg11: memref<160x208xi32, #tpu.memory_space<vmem>>, %arg12: memref<160x208xf32, #tpu.memory_space<vmem>>) attributes {dimension_semantics = [], scalar_prefetch = 0 : i64, scratch_operands = 0 : i64, tpu.core_type = #tpu.core_type<tc>} {
    %get3A = arith.constant 0 : index
    %get3A_0 = arith.constant 0 : index
    %get3A_1 = vector.load %arg2[%get3A, %get3A_0] : memref<160x256xf32, #tpu.memory_space<vmem>>, vector<160x256xf32>
    %get3A_2 = arith.constant 0 : index
    %get3A_3 = arith.constant 0 : index
    %get3A_4 = vector.load %arg5[%get3A_2, %get3A_3] : memref<1x256xf32, #tpu.memory_space<vmem>>, vector<1x256xf32>
    %dot_general3A = arith.constant dense<0.000000e+00> : vector<160x1xf32>
    %dot_general3A_5 = tpu.matmul %get3A_1, %get3A_4, %dot_general3A {dimension_numbers = #tpu.dot_dimension_numbers<[1], [1], [0], [0], [0, 0, 1, 0], [], []>, transpose_lhs_hint = false} : vector<160x256xf32>, vector<1x256xf32>, vector<160x1xf32> -> vector<160x1xf32>
    %get3A_6 = arith.constant 0 : index
    %get3A_7 = arith.constant 0 : index
    %get3A_8 = vector.load %arg4[%get3A_6, %get3A_7] : memref<160x256xf32, #tpu.memory_space<vmem>>, vector<160x256xf32>
    %get3A_9 = arith.constant 0 : index
    %get3A_10 = arith.constant 0 : index
    %get3A_11 = vector.load %arg6[%get3A_9, %get3A_10] : memref<1x256xf32, #tpu.memory_space<vmem>>, vector<1x256xf32>
    %dot_general3A_12 = arith.constant dense<0.000000e+00> : vector<160x1xf32>
    %dot_general3A_13 = tpu.matmul %get3A_8, %get3A_11, %dot_general3A_12 {dimension_numbers = #tpu.dot_dimension_numbers<[1], [1], [0], [0], [0, 0, 1, 0], [], []>, transpose_lhs_hint = false} : vector<160x256xf32>, vector<1x256xf32>, vector<160x1xf32> -> vector<160x1xf32>
    %add3A = arith.addf %dot_general3A_5, %dot_general3A_13 : vector<160x1xf32>
    %get3A_14 = arith.constant 0 : index
    %get3A_15 = arith.constant 0 : index
    %get3A_16 = vector.load %arg3[%get3A_14, %get3A_15] : memref<160x256xf32, #tpu.memory_space<vmem>>, vector<160x256xf32>
    %get3A_17 = arith.constant 0 : index
    %get3A_18 = arith.constant 0 : index
    %get3A_19 = vector.load %arg7[%get3A_17, %get3A_18] : memref<1x256xf32, #tpu.memory_space<vmem>>, vector<1x256xf32>
    %dot_general3A_20 = arith.constant dense<0.000000e+00> : vector<160x1xf32>
    %dot_general3A_21 = tpu.matmul %get3A_16, %get3A_19, %dot_general3A_20 {dimension_numbers = #tpu.dot_dimension_numbers<[1], [1], [0], [0], [0, 0, 1, 0], [], []>, transpose_lhs_hint = false} : vector<160x256xf32>, vector<1x256xf32>, vector<160x1xf32> -> vector<160x1xf32>
    %add3A_22 = arith.addf %add3A, %dot_general3A_21 : vector<160x1xf32>
    %get3A_23 = arith.constant 0 : index
    %get3A_24 = arith.constant 0 : index
    %get3A_25 = vector.load %arg8[%get3A_23, %get3A_24] : memref<1x1xf32, #tpu.memory_space<vmem>>, vector<1x1xf32>
    %add3A_26 = vector.broadcast %get3A_25 : vector<1x1xf32> to vector<160x1xf32>
    %add3A_27 = arith.addf %add3A_22, %add3A_26 : vector<160x1xf32>
    %logistic3A = arith.negf %add3A_27 : vector<160x1xf32>
    %logistic3A_28 = math.exp %logistic3A : vector<160x1xf32>
    %logistic3A_29 = arith.constant 1.000000e+00 : f32
    %logistic3A_30 = vector.broadcast %logistic3A_29 : f32 to vector<160x1xf32>
    %logistic3A_31 = arith.addf %logistic3A_30, %logistic3A_28 : vector<160x1xf32>
    %logistic3A_32 = arith.divf %logistic3A_30, %logistic3A_31 : vector<160x1xf32>
    %iota3A = tpu.iota {dimensions = array<i32: 0>} : vector<200x200xi32>
    %iota3A_33 = tpu.iota {dimensions = array<i32: 1>} : vector<200x200xi32>
    %lt3A = arith.cmpi slt, %iota3A, %iota3A_33 : vector<200x200xi32>
    %get3A_34 = arith.constant 0 : index
    %get3A_35 = arith.constant 0 : index
    %get3A_36 = vector.load %arg0[%get3A_34, %get3A_35] : memref<8x200xi32, #tpu.memory_space<vmem>>, vector<1x200xi32>
    %get3A_37 = vector.shape_cast %get3A_36 : vector<1x200xi32> to vector<200xi32>
    %broadcast_in_dim3A = vector.shape_cast %get3A_37 : vector<200xi32> to vector<200x1xi32>
    %broadcast_in_dim3A_38 = vector.shape_cast %get3A_37 : vector<200xi32> to vector<1x200xi32>
    %eq3A = vector.broadcast %broadcast_in_dim3A : vector<200x1xi32> to vector<200x200xi32>
    %eq3A_39 = vector.broadcast %broadcast_in_dim3A_38 : vector<1x200xi32> to vector<200x200xi32>
    %eq3A_40 = arith.cmpi eq, %eq3A, %eq3A_39 : vector<200x200xi32>
    %convert_element_type3A = arith.extui %eq3A_40 : vector<200x200xi1> to vector<200x200xi32>
    %convert_element_type3A_41 = arith.sitofp %convert_element_type3A : vector<200x200xi32> to vector<200x200xf32>
    %get3A_42 = arith.constant 0 : index
    %get3A_43 = arith.constant 0 : index
    %get3A_44 = arith.constant 0 : index
    %get3A_45 = vector.load %arg1[%get3A_42, %get3A_43, %get3A_44] : memref<8x20x200xf32, #tpu.memory_space<vmem>>, vector<1x20x200xf32>
    %get3A_46 = vector.shape_cast %get3A_45 : vector<1x20x200xf32> to vector<20x200xf32>
    %dot_general3A_47 = arith.constant dense<0.000000e+00> : vector<20x200xf32>
    %dot_general3A_48 = tpu.matmul %get3A_46, %convert_element_type3A_41, %dot_general3A_47 {dimension_numbers = #tpu.dot_dimension_numbers<[1], [0], [0], [1], [0, 0, 1, 1], [], []>, transpose_lhs_hint = false} : vector<20x200xf32>, vector<200x200xf32>, vector<20x200xf32> -> vector<20x200xf32>
    %convert_element_type3A_49 = arith.extui %lt3A : vector<200x200xi1> to vector<200x200xi32>
    %convert_element_type3A_50 = arith.sitofp %convert_element_type3A_49 : vector<200x200xi32> to vector<200x200xf32>
    %mul3A = arith.mulf %convert_element_type3A_41, %convert_element_type3A_50 : vector<200x200xf32>
    %reduce_sum3A = arith.constant dense<0.000000e+00> : vector<200xf32>
    %reduce_sum3A_51 = vector.multi_reduction <add>, %mul3A, %reduce_sum3A [0] : vector<200x200xf32> to vector<200xf32>
    %eq3A_52 = arith.constant 0.000000e+00 : f32
    %eq3A_53 = vector.broadcast %eq3A_52 : f32 to vector<200xf32>
    %eq3A_54 = arith.cmpf oeq, %reduce_sum3A_51, %eq3A_53 : vector<200xf32>
    %convert_element_type3A_55 = arith.extui %eq3A_54 : vector<200xi1> to vector<200xi32>
    %convert_element_type3A_56 = arith.sitofp %convert_element_type3A_55 : vector<200xi32> to vector<200xf32>
    %reduce_sum3A_57 = vector.shape_cast %convert_element_type3A_56 : vector<200xf32> to vector<1x200xf32>
    %reduce_sum3A_58 = arith.constant dense<0.000000e+00> : vector<1xf32>
    %reduce_sum3A_59 = vector.multi_reduction <add>, %reduce_sum3A_57, %reduce_sum3A_58 [1] : vector<1x200xf32> to vector<1xf32>
    %reduce_sum3A_60 = vector.shape_cast %reduce_sum3A_59 : vector<1xf32> to vector<1x1xf32>
    %reduce_sum3A_61 = vector.extract %reduce_sum3A_60[0, 0] : f32 from vector<1x1xf32>
    %sub3A = arith.constant 1.000000e+05 : f32
    %sub3A_62 = arith.subf %sub3A, %reduce_sum3A_61 : f32
    %reduce_max3A = arith.constant dense<0xFF800000> : vector<20xf32>
    %reduce_max3A_63 = vector.multi_reduction <maximumf>, %dot_general3A_48, %reduce_max3A [1] : vector<20x200xf32> to vector<20xf32>
    %max3A = arith.constant 0.000000e+00 : f32
    %max3A_64 = vector.broadcast %max3A : f32 to vector<20xf32>
    %max3A_65 = arith.maximumf %reduce_max3A_63, %max3A_64 : vector<20xf32>
    %neg3A = arith.constant 0.000000e+00 : f32
    %neg3A_66 = vector.broadcast %neg3A : f32 to vector<20xf32>
    %neg3A_67 = arith.subf %neg3A_66, %max3A_65 : vector<20xf32>
    %exp3A = math.exp %neg3A_67 : vector<20xf32>
    %mul3A_68 = vector.broadcast %sub3A_62 : f32 to vector<20xf32>
    %mul3A_69 = arith.mulf %mul3A_68, %exp3A : vector<20xf32>
    %broadcast_in_dim3A_70 = vector.shape_cast %convert_element_type3A_56 : vector<200xf32> to vector<1x200xf32>
    %broadcast_in_dim3A_71 = vector.shape_cast %max3A_65 : vector<20xf32> to vector<20x1xf32>
    %sub3A_72 = vector.broadcast %broadcast_in_dim3A_71 : vector<20x1xf32> to vector<20x200xf32>
    %sub3A_73 = arith.subf %dot_general3A_48, %sub3A_72 : vector<20x200xf32>
    %exp3A_74 = math.exp %sub3A_73 : vector<20x200xf32>
    %mul3A_75 = vector.broadcast %broadcast_in_dim3A_70 : vector<1x200xf32> to vector<20x200xf32>
    %mul3A_76 = arith.mulf %mul3A_75, %exp3A_74 : vector<20x200xf32>
    %reduce_sum3A_77 = arith.constant dense<0.000000e+00> : vector<20xf32>
    %reduce_sum3A_78 = vector.multi_reduction <add>, %mul3A_76, %reduce_sum3A_77 [1] : vector<20x200xf32> to vector<20xf32>
    %add3A_79 = arith.addf %mul3A_69, %reduce_sum3A_78 : vector<20xf32>
    %log3A = math.log %add3A_79 : vector<20xf32>
    %add3A_80 = arith.addf %max3A_65, %log3A : vector<20xf32>
    %slice3A = vector.extract_strided_slice %logistic3A_32 {offsets = [0, 0], sizes = [20, 1], strides = [1, 1]} : vector<160x1xf32> to vector<20x1xf32>
    %squeeze3A = vector.shape_cast %slice3A : vector<20x1xf32> to vector<20xf32>
    %sub3A_81 = arith.constant 1.000000e+00 : f32
    %sub3A_82 = vector.broadcast %sub3A_81 : f32 to vector<20xf32>
    %sub3A_83 = arith.subf %sub3A_82, %squeeze3A : vector<20xf32>
    %broadcast_in_dim3A_84 = vector.shape_cast %squeeze3A : vector<20xf32> to vector<20x1xf32>
    %broadcast_in_dim3A_85 = vector.shape_cast %broadcast_in_dim3A_84 : vector<20x1xf32> to vector<20x1xf32>
    %broadcast_in_dim3A_86 = vector.broadcast %broadcast_in_dim3A_85 : vector<20x1xf32> to vector<20x16xf32>
    %swap3A = arith.constant 0 : index
    %swap3A_87 = arith.constant 0 : index
    %swap3A_88 = vector.load %arg9[%swap3A, %swap3A_87] : memref<160x16xf32, #tpu.memory_space<vmem>>, vector<20x16xf32>
    tpu.vector_store %arg9[%swap3A, %swap3A_87], %broadcast_in_dim3A_86 {strides = array<i32>} : memref<160x16xf32, #tpu.memory_space<vmem>>, vector<20x16xf32>,
    %mul3A_89 = arith.mulf %sub3A_83, %add3A_80 : vector<20xf32>
    %neg3A_90 = arith.constant 0.000000e+00 : f32
    %neg3A_91 = vector.broadcast %neg3A_90 : f32 to vector<20xf32>
    %neg3A_92 = arith.subf %neg3A_91, %mul3A_89 : vector<20xf32>
    %broadcast_in_dim3A_93 = vector.shape_cast %neg3A_92 : vector<20xf32> to vector<20x1xf32>
    %broadcast_in_dim3A_94 = vector.shape_cast %broadcast_in_dim3A_93 : vector<20x1xf32> to vector<20x1xf32>
    %broadcast_in_dim3A_95 = vector.broadcast %broadcast_in_dim3A_94 : vector<20x1xf32> to vector<20x16xf32>
    %swap3A_96 = arith.constant 0 : index
    %swap3A_97 = arith.constant 0 : index
    %swap3A_98 = vector.load %arg10[%swap3A_96, %swap3A_97] : memref<160x16xf32, #tpu.memory_space<vmem>>, vector<20x16xf32>
    tpu.vector_store %arg10[%swap3A_96, %swap3A_97], %broadcast_in_dim3A_95 {strides = array<i32>} : memref<160x16xf32, #tpu.memory_space<vmem>>, vector<20x16xf32>,
    %iota3A_99 = tpu.iota {dimensions = array<i32: 1>} : vector<20x208xi32>
    %broadcast_in_dim3A_100 = arith.constant 0 : i32
    %broadcast_in_dim3A_101 = vector.broadcast %broadcast_in_dim3A_100 : i32 to vector<8xi32>
    %concatenate3A = tpu.concatenate %get3A_37, %broadcast_in_dim3A_101 in 0 : vector<200xi32>, vector<8xi32> -> vector<208xi32>
    %broadcast_in_dim3A_102 = arith.constant 0.000000e+00 : f32
    %broadcast_in_dim3A_103 = vector.broadcast %broadcast_in_dim3A_102 : f32 to vector<8xf32>
    %concatenate3A_104 = tpu.concatenate %convert_element_type3A_56, %broadcast_in_dim3A_103 in 0 : vector<200xf32>, vector<8xf32> -> vector<208xf32>
    %broadcast_in_dim3A_105 = vector.shape_cast %concatenate3A : vector<208xi32> to vector<1x208xi32>
    %broadcast_in_dim3A_106 = vector.shape_cast %broadcast_in_dim3A_105 : vector<1x208xi32> to vector<1x208xi32>
    %broadcast_in_dim3A_107 = vector.broadcast %broadcast_in_dim3A_106 : vector<1x208xi32> to vector<20x208xi32>
    %broadcast_in_dim3A_108 = vector.shape_cast %concatenate3A_104 : vector<208xf32> to vector<1x208xf32>
    %broadcast_in_dim3A_109 = vector.shape_cast %broadcast_in_dim3A_108 : vector<1x208xf32> to vector<1x208xf32>
    %broadcast_in_dim3A_110 = vector.broadcast %broadcast_in_dim3A_109 : vector<1x208xf32> to vector<20x208xf32>
    %gt3A = arith.constant 0.000000e+00 : f32
    %gt3A_111 = vector.broadcast %gt3A : f32 to vector<20x208xf32>
    %gt3A_112 = arith.cmpf ogt, %broadcast_in_dim3A_110, %gt3A_111 : vector<20x208xf32>
    %and3A = arith.constant 15 : i32
    %and3A_113 = vector.broadcast %and3A : i32 to vector<20x208xi32>
    %and3A_114 = arith.andi %iota3A_99, %and3A_113 : vector<20x208xi32>
    %add3A_115 = arith.constant 100000 : i32
    %add3A_116 = vector.broadcast %add3A_115 : i32 to vector<20x208xi32>
    %add3A_117 = arith.addi %add3A_116, %and3A_114 : vector<20x208xi32>
    %select_n3A = arith.select %gt3A_112, %broadcast_in_dim3A_107, %add3A_117 : vector<20x208xi1>, vector<20x208xi32>
    %swap3A_118 = arith.constant 0 : index
    %swap3A_119 = arith.constant 0 : index
    %swap3A_120 = vector.load %arg11[%swap3A_118, %swap3A_119] : memref<160x208xi32, #tpu.memory_space<vmem>>, vector<20x208xi32>
    tpu.vector_store %arg11[%swap3A_118, %swap3A_119], %select_n3A {strides = array<i32>} : memref<160x208xi32, #tpu.memory_space<vmem>>, vector<20x208xi32>,
    %broadcast_in_dim3A_121 = arith.constant 0.000000e+00 : f32
    %broadcast_in_dim3A_122 = vector.broadcast %broadcast_in_dim3A_121 : f32 to vector<20x8xf32>
    %concatenate3A_123 = tpu.concatenate %dot_general3A_48, %broadcast_in_dim3A_122 in 1 : vector<20x200xf32>, vector<20x8xf32> -> vector<20x208xf32>
    %broadcast_in_dim3A_124 = vector.shape_cast %sub3A_83 : vector<20xf32> to vector<20x1xf32>
    %mul3A_125 = vector.broadcast %broadcast_in_dim3A_124 : vector<20x1xf32> to vector<20x208xf32>
    %mul3A_126 = arith.mulf %mul3A_125, %concatenate3A_123 : vector<20x208xf32>
    %mul3A_127 = arith.mulf %mul3A_126, %broadcast_in_dim3A_110 : vector<20x208xf32>
    %swap3A_128 = arith.constant 0 : index
    %swap3A_129 = arith.constant 0 : index
    %swap3A_130 = vector.load %arg12[%swap3A_128, %swap3A_129] : memref<160x208xf32, #tpu.memory_space<vmem>>, vector<20x208xf32>
    tpu.vector_store %arg12[%swap3A_128, %swap3A_129], %mul3A_127 {strides = array<i32>} : memref<160x208xf32, #tpu.memory_space<vmem>>, vector<20x208xf32>,
    %get3A_131 = arith.constant 1 : index
    %get3A_132 = arith.constant 0 : index
    %get3A_133 = vector.load %arg0[%get3A_131, %get3A_132] : memref<8x200xi32, #tpu.memory_space<vmem>>, vector<1x200xi32>
    %get3A_134 = vector.shape_cast %get3A_133 : vector<1x200xi32> to vector<200xi32>
    %broadcast_in_dim3A_135 = vector.shape_cast %get3A_134 : vector<200xi32> to vector<200x1xi32>
    %broadcast_in_dim3A_136 = vector.shape_cast %get3A_134 : vector<200xi32> to vector<1x200xi32>
    %eq3A_137 = vector.broadcast %broadcast_in_dim3A_135 : vector<200x1xi32> to vector<200x200xi32>
    %eq3A_138 = vector.broadcast %broadcast_in_dim3A_136 : vector<1x200xi32> to vector<200x200xi32>
    %eq3A_139 = arith.cmpi eq, %eq3A_137, %eq3A_138 : vector<200x200xi32>
    %convert_element_type3A_140 = arith.extui %eq3A_139 : vector<200x200xi1> to vector<200x200xi32>
    %convert_element_type3A_141 = arith.sitofp %convert_element_type3A_140 : vector<200x200xi32> to vector<200x200xf32>
    %get3A_142 = arith.constant 1 : index
    %get3A_143 = arith.constant 0 : index
    %get3A_144 = arith.constant 0 : index
    %get3A_145 = vector.load %arg1[%get3A_142, %get3A_143, %get3A_144] : memref<8x20x200xf32, #tpu.memory_space<vmem>>, vector<1x20x200xf32>
    %get3A_146 = vector.shape_cast %get3A_145 : vector<1x20x200xf32> to vector<20x200xf32>
    %dot_general3A_147 = arith.constant dense<0.000000e+00> : vector<20x200xf32>
    %dot_general3A_148 = tpu.matmul %get3A_146, %convert_element_type3A_141, %dot_general3A_147 {dimension_numbers = #tpu.dot_dimension_numbers<[1], [0], [0], [1], [0, 0, 1, 1], [], []>, transpose_lhs_hint = false} : vector<20x200xf32>, vector<200x200xf32>, vector<20x200xf32> -> vector<20x200xf32>
    %convert_element_type3A_149 = arith.extui %lt3A : vector<200x200xi1> to vector<200x200xi32>
    %convert_element_type3A_150 = arith.sitofp %convert_element_type3A_149 : vector<200x200xi32> to vector<200x200xf32>
    %mul3A_151 = arith.mulf %convert_element_type3A_141, %convert_element_type3A_150 : vector<200x200xf32>
    %reduce_sum3A_152 = arith.constant dense<0.000000e+00> : vector<200xf32>
    %reduce_sum3A_153 = vector.multi_reduction <add>, %mul3A_151, %reduce_sum3A_152 [0] : vector<200x200xf32> to vector<200xf32>
    %eq3A_154 = arith.constant 0.000000e+00 : f32
    %eq3A_155 = vector.broadcast %eq3A_154 : f32 to vector<200xf32>
    %eq3A_156 = arith.cmpf oeq, %reduce_sum3A_153, %eq3A_155 : vector<200xf32>
    %convert_element_type3A_157 = arith.extui %eq3A_156 : vector<200xi1> to vector<200xi32>
    %convert_element_type3A_158 = arith.sitofp %convert_element_type3A_157 : vector<200xi32> to vector<200xf32>
    %reduce_sum3A_159 = vector.shape_cast %convert_element_type3A_158 : vector<200xf32> to vector<1x200xf32>
    %reduce_sum3A_160 = arith.constant dense<0.000000e+00> : vector<1xf32>
    %reduce_sum3A_161 = vector.multi_reduction <add>, %reduce_sum3A_159, %reduce_sum3A_160 [1] : vector<1x200xf32> to vector<1xf32>
    %reduce_sum3A_162 = vector.shape_cast %reduce_sum3A_161 : vector<1xf32> to vector<1x1xf32>
    %reduce_sum3A_163 = vector.extract %reduce_sum3A_162[0, 0] : f32 from vector<1x1xf32>
    %sub3A_164 = arith.constant 1.000000e+05 : f32
    %sub3A_165 = arith.subf %sub3A_164, %reduce_sum3A_163 : f32
    %reduce_max3A_166 = arith.constant dense<0xFF800000> : vector<20xf32>
    %reduce_max3A_167 = vector.multi_reduction <maximumf>, %dot_general3A_148, %reduce_max3A_166 [1] : vector<20x200xf32> to vector<20xf32>
    %max3A_168 = arith.constant 0.000000e+00 : f32
    %max3A_169 = vector.broadcast %max3A_168 : f32 to vector<20xf32>
    %max3A_170 = arith.maximumf %reduce_max3A_167, %max3A_169 : vector<20xf32>
    %neg3A_171 = arith.constant 0.000000e+00 : f32
    %neg3A_172 = vector.broadcast %neg3A_171 : f32 to vector<20xf32>
    %neg3A_173 = arith.subf %neg3A_172, %max3A_170 : vector<20xf32>
    %exp3A_174 = math.exp %neg3A_173 : vector<20xf32>
    %mul3A_175 = vector.broadcast %sub3A_165 : f32 to vector<20xf32>
    %mul3A_176 = arith.mulf %mul3A_175, %exp3A_174 : vector<20xf32>
    %broadcast_in_dim3A_177 = vector.shape_cast %convert_element_type3A_158 : vector<200xf32> to vector<1x200xf32>
    %broadcast_in_dim3A_178 = vector.shape_cast %max3A_170 : vector<20xf32> to vector<20x1xf32>
    %sub3A_179 = vector.broadcast %broadcast_in_dim3A_178 : vector<20x1xf32> to vector<20x200xf32>
    %sub3A_180 = arith.subf %dot_general3A_148, %sub3A_179 : vector<20x200xf32>
    %exp3A_181 = math.exp %sub3A_180 : vector<20x200xf32>
    %mul3A_182 = vector.broadcast %broadcast_in_dim3A_177 : vector<1x200xf32> to vector<20x200xf32>
    %mul3A_183 = arith.mulf %mul3A_182, %exp3A_181 : vector<20x200xf32>
    %reduce_sum3A_184 = arith.constant dense<0.000000e+00> : vector<20xf32>
    %reduce_sum3A_185 = vector.multi_reduction <add>, %mul3A_183, %reduce_sum3A_184 [1] : vector<20x200xf32> to vector<20xf32>
    %add3A_186 = arith.addf %mul3A_176, %reduce_sum3A_185 : vector<20xf32>
    %log3A_187 = math.log %add3A_186 : vector<20xf32>
    %add3A_188 = arith.addf %max3A_170, %log3A_187 : vector<20xf32>
    %slice3A_189 = vector.extract_strided_slice %logistic3A_32 {offsets = [20, 0], sizes = [20, 1], strides = [1, 1]} : vector<160x1xf32> to vector<20x1xf32>
    %squeeze3A_190 = vector.shape_cast %slice3A_189 : vector<20x1xf32> to vector<20xf32>
    %sub3A_191 = arith.constant 1.000000e+00 : f32
    %sub3A_192 = vector.broadcast %sub3A_191 : f32 to vector<20xf32>
    %sub3A_193 = arith.subf %sub3A_192, %squeeze3A_190 : vector<20xf32>
    %broadcast_in_dim3A_194 = vector.shape_cast %squeeze3A_190 : vector<20xf32> to vector<20x1xf32>
    %broadcast_in_dim3A_195 = vector.shape_cast %broadcast_in_dim3A_194 : vector<20x1xf32> to vector<20x1xf32>
    %broadcast_in_dim3A_196 = vector.broadcast %broadcast_in_dim3A_195 : vector<20x1xf32> to vector<20x16xf32>
    %swap3A_197 = arith.constant 20 : index
    %swap3A_198 = arith.constant 0 : index
    %swap3A_199 = vector.load %arg9[%swap3A_197, %swap3A_198] : memref<160x16xf32, #tpu.memory_space<vmem>>, vector<20x16xf32>
    tpu.vector_store %arg9[%swap3A_197, %swap3A_198], %broadcast_in_dim3A_196 {strides = array<i32>} : memref<160x16xf32, #tpu.memory_space<vmem>>, vector<20x16xf32>,
    %mul3A_200 = arith.mulf %sub3A_193, %add3A_188 : vector<20xf32>
    %neg3A_201 = arith.constant 0.000000e+00 : f32
    %neg3A_202 = vector.broadcast %neg3A_201 : f32 to vector<20xf32>
    %neg3A_203 = arith.subf %neg3A_202, %mul3A_200 : vector<20xf32>
    %broadcast_in_dim3A_204 = vector.shape_cast %neg3A_203 : vector<20xf32> to vector<20x1xf32>
    %broadcast_in_dim3A_205 = vector.shape_cast %broadcast_in_dim3A_204 : vector<20x1xf32> to vector<20x1xf32>
    %broadcast_in_dim3A_206 = vector.broadcast %broadcast_in_dim3A_205 : vector<20x1xf32> to vector<20x16xf32>
    %swap3A_207 = arith.constant 20 : index
    %swap3A_208 = arith.constant 0 : index
    %swap3A_209 = vector.load %arg10[%swap3A_207, %swap3A_208] : memref<160x16xf32, #tpu.memory_space<vmem>>, vector<20x16xf32>
    tpu.vector_store %arg10[%swap3A_207, %swap3A_208], %broadcast_in_dim3A_206 {strides = array<i32>} : memref<160x16xf32, #tpu.memory_space<vmem>>, vector<20x16xf32>,
    %iota3A_210 = tpu.iota {dimensions = array<i32: 1>} : vector<20x208xi32>
    %broadcast_in_dim3A_211 = arith.constant 0 : i32
    %broadcast_in_dim3A_212 = vector.broadcast %broadcast_in_dim3A_211 : i32 to vector<8xi32>
    %concatenate3A_213 = tpu.concatenate %get3A_134, %broadcast_in_dim3A_212 in 0 : vector<200xi32>, vector<8xi32> -> vector<208xi32>
    %broadcast_in_dim3A_214 = arith.constant 0.000000e+00 : f32
    %broadcast_in_dim3A_215 = vector.broadcast %broadcast_in_dim3A_214 : f32 to vector<8xf32>
    %concatenate3A_216 = tpu.concatenate %convert_element_type3A_158, %broadcast_in_dim3A_215 in 0 : vector<200xf32>, vector<8xf32> -> vector<208xf32>
    %broadcast_in_dim3A_217 = vector.shape_cast %concatenate3A_213 : vector<208xi32> to vector<1x208xi32>
    %broadcast_in_dim3A_218 = vector.shape_cast %broadcast_in_dim3A_217 : vector<1x208xi32> to vector<1x208xi32>
    %broadcast_in_dim3A_219 = vector.broadcast %broadcast_in_dim3A_218 : vector<1x208xi32> to vector<20x208xi32>
    %broadcast_in_dim3A_220 = vector.shape_cast %concatenate3A_216 : vector<208xf32> to vector<1x208xf32>
    %broadcast_in_dim3A_221 = vector.shape_cast %broadcast_in_dim3A_220 : vector<1x208xf32> to vector<1x208xf32>
    %broadcast_in_dim3A_222 = vector.broadcast %broadcast_in_dim3A_221 : vector<1x208xf32> to vector<20x208xf32>
    %gt3A_223 = arith.constant 0.000000e+00 : f32
    %gt3A_224 = vector.broadcast %gt3A_223 : f32 to vector<20x208xf32>
    %gt3A_225 = arith.cmpf ogt, %broadcast_in_dim3A_222, %gt3A_224 : vector<20x208xf32>
    %and3A_226 = arith.constant 15 : i32
    %and3A_227 = vector.broadcast %and3A_226 : i32 to vector<20x208xi32>
    %and3A_228 = arith.andi %iota3A_210, %and3A_227 : vector<20x208xi32>
    %add3A_229 = arith.constant 100000 : i32
    %add3A_230 = vector.broadcast %add3A_229 : i32 to vector<20x208xi32>
    %add3A_231 = arith.addi %add3A_230, %and3A_228 : vector<20x208xi32>
    %select_n3A_232 = arith.select %gt3A_225, %broadcast_in_dim3A_219, %add3A_231 : vector<20x208xi1>, vector<20x208xi32>
    %swap3A_233 = arith.constant 20 : index
    %swap3A_234 = arith.constant 0 : index
    %swap3A_235 = vector.load %arg11[%swap3A_233, %swap3A_234] : memref<160x208xi32, #tpu.memory_space<vmem>>, vector<20x208xi32>
    tpu.vector_store %arg11[%swap3A_233, %swap3A_234], %select_n3A_232 {strides = array<i32>} : memref<160x208xi32, #tpu.memory_space<vmem>>, vector<20x208xi32>,
    %broadcast_in_dim3A_236 = arith.constant 0.000000e+00 : f32
    %broadcast_in_dim3A_237 = vector.broadcast %broadcast_in_dim3A_236 : f32 to vector<20x8xf32>
    %concatenate3A_238 = tpu.concatenate %dot_general3A_148, %broadcast_in_dim3A_237 in 1 : vector<20x200xf32>, vector<20x8xf32> -> vector<20x208xf32>
    %broadcast_in_dim3A_239 = vector.shape_cast %sub3A_193 : vector<20xf32> to vector<20x1xf32>
    %mul3A_240 = vector.broadcast %broadcast_in_dim3A_239 : vector<20x1xf32> to vector<20x208xf32>
    %mul3A_241 = arith.mulf %mul3A_240, %concatenate3A_238 : vector<20x208xf32>
    %mul3A_242 = arith.mulf %mul3A_241, %broadcast_in_dim3A_222 : vector<20x208xf32>
    %swap3A_243 = arith.constant 20 : index
    %swap3A_244 = arith.constant 0 : index
    %swap3A_245 = vector.load %arg12[%swap3A_243, %swap3A_244] : memref<160x208xf32, #tpu.memory_space<vmem>>, vector<20x208xf32>
    tpu.vector_store %arg12[%swap3A_243, %swap3A_244], %mul3A_242 {strides = array<i32>} : memref<160x208xf32, #tpu.memory_space<vmem>>, vector<20x208xf32>,
    %get3A_246 = arith.constant 2 : index
    %get3A_247 = arith.constant 0 : index
    %get3A_248 = vector.load %arg0[%get3A_246, %get3A_247] : memref<8x200xi32, #tpu.memory_space<vmem>>, vector<1x200xi32>
    %get3A_249 = vector.shape_cast %get3A_248 : vector<1x200xi32> to vector<200xi32>
    %broadcast_in_dim3A_250 = vector.shape_cast %get3A_249 : vector<200xi32> to vector<200x1xi32>
    %broadcast_in_dim3A_251 = vector.shape_cast %get3A_249 : vector<200xi32> to vector<1x200xi32>
    %eq3A_252 = vector.broadcast %broadcast_in_dim3A_250 : vector<200x1xi32> to vector<200x200xi32>
    %eq3A_253 = vector.broadcast %broadcast_in_dim3A_251 : vector<1x200xi32> to vector<200x200xi32>
    %eq3A_254 = arith.cmpi eq, %eq3A_252, %eq3A_253 : vector<200x200xi32>
    %convert_element_type3A_255 = arith.extui %eq3A_254 : vector<200x200xi1> to vector<200x200xi32>
    %convert_element_type3A_256 = arith.sitofp %convert_element_type3A_255 : vector<200x200xi32> to vector<200x200xf32>
    %get3A_257 = arith.constant 2 : index
    %get3A_258 = arith.constant 0 : index
    %get3A_259 = arith.constant 0 : index
    %get3A_260 = vector.load %arg1[%get3A_257, %get3A_258, %get3A_259] : memref<8x20x200xf32, #tpu.memory_space<vmem>>, vector<1x20x200xf32>
    %get3A_261 = vector.shape_cast %get3A_260 : vector<1x20x200xf32> to vector<20x200xf32>
    %dot_general3A_262 = arith.constant dense<0.000000e+00> : vector<20x200xf32>
    %dot_general3A_263 = tpu.matmul %get3A_261, %convert_element_type3A_256, %dot_general3A_262 {dimension_numbers = #tpu.dot_dimension_numbers<[1], [0], [0], [1], [0, 0, 1, 1], [], []>, transpose_lhs_hint = false} : vector<20x200xf32>, vector<200x200xf32>, vector<20x200xf32> -> vector<20x200xf32>
    %convert_element_type3A_264 = arith.extui %lt3A : vector<200x200xi1> to vector<200x200xi32>
    %convert_element_type3A_265 = arith.sitofp %convert_element_type3A_264 : vector<200x200xi32> to vector<200x200xf32>
    %mul3A_266 = arith.mulf %convert_element_type3A_256, %convert_element_type3A_265 : vector<200x200xf32>
    %reduce_sum3A_267 = arith.constant dense<0.000000e+00> : vector<200xf32>
    %reduce_sum3A_268 = vector.multi_reduction <add>, %mul3A_266, %reduce_sum3A_267 [0] : vector<200x200xf32> to vector<200xf32>
    %eq3A_269 = arith.constant 0.000000e+00 : f32
    %eq3A_270 = vector.broadcast %eq3A_269 : f32 to vector<200xf32>
    %eq3A_271 = arith.cmpf oeq, %reduce_sum3A_268, %eq3A_270 : vector<200xf32>
    %convert_element_type3A_272 = arith.extui %eq3A_271 : vector<200xi1> to vector<200xi32>
    %convert_element_type3A_273 = arith.sitofp %convert_element_type3A_272 : vector<200xi32> to vector<200xf32>
    %reduce_sum3A_274 = vector.shape_cast %convert_element_type3A_273 : vector<200xf32> to vector<1x200xf32>
    %reduce_sum3A_275 = arith.constant dense<0.000000e+00> : vector<1xf32>
    %reduce_sum3A_276 = vector.multi_reduction <add>, %reduce_sum3A_274, %reduce_sum3A_275 [1] : vector<1x200xf32> to vector<1xf32>
    %reduce_sum3A_277 = vector.shape_cast %reduce_sum3A_276 : vector<1xf32> to vector<1x1xf32>
    %reduce_sum3A_278 = vector.extract %reduce_sum3A_277[0, 0] : f32 from vector<1x1xf32>
    %sub3A_279 = arith.constant 1.000000e+05 : f32
    %sub3A_280 = arith.subf %sub3A_279, %reduce_sum3A_278 : f32
    %reduce_max3A_281 = arith.constant dense<0xFF800000> : vector<20xf32>
    %reduce_max3A_282 = vector.multi_reduction <maximumf>, %dot_general3A_263, %reduce_max3A_281 [1] : vector<20x200xf32> to vector<20xf32>
    %max3A_283 = arith.constant 0.000000e+00 : f32
    %max3A_284 = vector.broadcast %max3A_283 : f32 to vector<20xf32>
    %max3A_285 = arith.maximumf %reduce_max3A_282, %max3A_284 : vector<20xf32>
    %neg3A_286 = arith.constant 0.000000e+00 : f32
    %neg3A_287 = vector.broadcast %neg3A_286 : f32 to vector<20xf32>
    %neg3A_288 = arith.subf %neg3A_287, %max3A_285 : vector<20xf32>
    %exp3A_289 = math.exp %neg3A_288 : vector<20xf32>
    %mul3A_290 = vector.broadcast %sub3A_280 : f32 to vector<20xf32>
    %mul3A_291 = arith.mulf %mul3A_290, %exp3A_289 : vector<20xf32>
    %broadcast_in_dim3A_292 = vector.shape_cast %convert_element_type3A_273 : vector<200xf32> to vector<1x200xf32>
    %broadcast_in_dim3A_293 = vector.shape_cast %max3A_285 : vector<20xf32> to vector<20x1xf32>
    %sub3A_294 = vector.broadcast %broadcast_in_dim3A_293 : vector<20x1xf32> to vector<20x200xf32>
    %sub3A_295 = arith.subf %dot_general3A_263, %sub3A_294 : vector<20x200xf32>
    %exp3A_296 = math.exp %sub3A_295 : vector<20x200xf32>
    %mul3A_297 = vector.broadcast %broadcast_in_dim3A_292 : vector<1x200xf32> to vector<20x200xf32>
    %mul3A_298 = arith.mulf %mul3A_297, %exp3A_296 : vector<20x200xf32>
    %reduce_sum3A_299 = arith.constant dense<0.000000e+00> : vector<20xf32>
    %reduce_sum3A_300 = vector.multi_reduction <add>, %mul3A_298, %reduce_sum3A_299 [1] : vector<20x200xf32> to vector<20xf32>
    %add3A_301 = arith.addf %mul3A_291, %reduce_sum3A_300 : vector<20xf32>
    %log3A_302 = math.log %add3A_301 : vector<20xf32>
    %add3A_303 = arith.addf %max3A_285, %log3A_302 : vector<20xf32>
    %slice3A_304 = vector.extract_strided_slice %logistic3A_32 {offsets = [40, 0], sizes = [20, 1], strides = [1, 1]} : vector<160x1xf32> to vector<20x1xf32>
    %squeeze3A_305 = vector.shape_cast %slice3A_304 : vector<20x1xf32> to vector<20xf32>
    %sub3A_306 = arith.constant 1.000000e+00 : f32
    %sub3A_307 = vector.broadcast %sub3A_306 : f32 to vector<20xf32>
    %sub3A_308 = arith.subf %sub3A_307, %squeeze3A_305 : vector<20xf32>
    %broadcast_in_dim3A_309 = vector.shape_cast %squeeze3A_305 : vector<20xf32> to vector<20x1xf32>
    %broadcast_in_dim3A_310 = vector.shape_cast %broadcast_in_dim3A_309 : vector<20x1xf32> to vector<20x1xf32>
    %broadcast_in_dim3A_311 = vector.broadcast %broadcast_in_dim3A_310 : vector<20x1xf32> to vector<20x16xf32>
    %swap3A_312 = arith.constant 40 : index
    %swap3A_313 = arith.constant 0 : index
    %swap3A_314 = vector.load %arg9[%swap3A_312, %swap3A_313] : memref<160x16xf32, #tpu.memory_space<vmem>>, vector<20x16xf32>
    tpu.vector_store %arg9[%swap3A_312, %swap3A_313], %broadcast_in_dim3A_311 {strides = array<i32>} : memref<160x16xf32, #tpu.memory_space<vmem>>, vector<20x16xf32>,
    %mul3A_315 = arith.mulf %sub3A_308, %add3A_303 : vector<20xf32>
    %neg3A_316 = arith.constant 0.000000e+00 : f32
    %neg3A_317 = vector.broadcast %neg3A_316 : f32 to vector<20xf32>
    %neg3A_318 = arith.subf %neg3A_317, %mul3A_315 : vector<20xf32>
    %broadcast_in_dim3A_319 = vector.shape_cast %neg3A_318 : vector<20xf32> to vector<20x1xf32>
    %broadcast_in_dim3A_320 = vector.shape_cast %broadcast_in_dim3A_319 : vector<20x1xf32> to vector<20x1xf32>
    %broadcast_in_dim3A_321 = vector.broadcast %broadcast_in_dim3A_320 : vector<20x1xf32> to vector<20x16xf32>
    %swap3A_322 = arith.constant 40 : index
    %swap3A_323 = arith.constant 0 : index
    %swap3A_324 = vector.load %arg10[%swap3A_322, %swap3A_323] : memref<160x16xf32, #tpu.memory_space<vmem>>, vector<20x16xf32>
    tpu.vector_store %arg10[%swap3A_322, %swap3A_323], %broadcast_in_dim3A_321 {strides = array<i32>} : memref<160x16xf32, #tpu.memory_space<vmem>>, vector<20x16xf32>,
    %iota3A_325 = tpu.iota {dimensions = array<i32: 1>} : vector<20x208xi32>
    %broadcast_in_dim3A_326 = arith.constant 0 : i32
    %broadcast_in_dim3A_327 = vector.broadcast %broadcast_in_dim3A_326 : i32 to vector<8xi32>
    %concatenate3A_328 = tpu.concatenate %get3A_249, %broadcast_in_dim3A_327 in 0 : vector<200xi32>, vector<8xi32> -> vector<208xi32>
    %broadcast_in_dim3A_329 = arith.constant 0.000000e+00 : f32
    %broadcast_in_dim3A_330 = vector.broadcast %broadcast_in_dim3A_329 : f32 to vector<8xf32>
    %concatenate3A_331 = tpu.concatenate %convert_element_type3A_273, %broadcast_in_dim3A_330 in 0 : vector<200xf32>, vector<8xf32> -> vector<208xf32>
    %broadcast_in_dim3A_332 = vector.shape_cast %concatenate3A_328 : vector<208xi32> to vector<1x208xi32>
    %broadcast_in_dim3A_333 = vector.shape_cast %broadcast_in_dim3A_332 : vector<1x208xi32> to vector<1x208xi32>
    %broadcast_in_dim3A_334 = vector.broadcast %broadcast_in_dim3A_333 : vector<1x208xi32> to vector<20x208xi32>
    %broadcast_in_dim3A_335 = vector.shape_cast %concatenate3A_331 : vector<208xf32> to vector<1x208xf32>
    %broadcast_in_dim3A_336 = vector.shape_cast %broadcast_in_dim3A_335 : vector<1x208xf32> to vector<1x208xf32>
    %broadcast_in_dim3A_337 = vector.broadcast %broadcast_in_dim3A_336 : vector<1x208xf32> to vector<20x208xf32>
    %gt3A_338 = arith.constant 0.000000e+00 : f32
    %gt3A_339 = vector.broadcast %gt3A_338 : f32 to vector<20x208xf32>
    %gt3A_340 = arith.cmpf ogt, %broadcast_in_dim3A_337, %gt3A_339 : vector<20x208xf32>
    %and3A_341 = arith.constant 15 : i32
    %and3A_342 = vector.broadcast %and3A_341 : i32 to vector<20x208xi32>
    %and3A_343 = arith.andi %iota3A_325, %and3A_342 : vector<20x208xi32>
    %add3A_344 = arith.constant 100000 : i32
    %add3A_345 = vector.broadcast %add3A_344 : i32 to vector<20x208xi32>
    %add3A_346 = arith.addi %add3A_345, %and3A_343 : vector<20x208xi32>
    %select_n3A_347 = arith.select %gt3A_340, %broadcast_in_dim3A_334, %add3A_346 : vector<20x208xi1>, vector<20x208xi32>
    %swap3A_348 = arith.constant 40 : index
    %swap3A_349 = arith.constant 0 : index
    %swap3A_350 = vector.load %arg11[%swap3A_348, %swap3A_349] : memref<160x208xi32, #tpu.memory_space<vmem>>, vector<20x208xi32>
    tpu.vector_store %arg11[%swap3A_348, %swap3A_349], %select_n3A_347 {strides = array<i32>} : memref<160x208xi32, #tpu.memory_space<vmem>>, vector<20x208xi32>,
    %broadcast_in_dim3A_351 = arith.constant 0.000000e+00 : f32
    %broadcast_in_dim3A_352 = vector.broadcast %broadcast_in_dim3A_351 : f32 to vector<20x8xf32>
    %concatenate3A_353 = tpu.concatenate %dot_general3A_263, %broadcast_in_dim3A_352 in 1 : vector<20x200xf32>, vector<20x8xf32> -> vector<20x208xf32>
    %broadcast_in_dim3A_354 = vector.shape_cast %sub3A_308 : vector<20xf32> to vector<20x1xf32>
    %mul3A_355 = vector.broadcast %broadcast_in_dim3A_354 : vector<20x1xf32> to vector<20x208xf32>
    %mul3A_356 = arith.mulf %mul3A_355, %concatenate3A_353 : vector<20x208xf32>
    %mul3A_357 = arith.mulf %mul3A_356, %broadcast_in_dim3A_337 : vector<20x208xf32>
    %swap3A_358 = arith.constant 40 : index
    %swap3A_359 = arith.constant 0 : index
    %swap3A_360 = vector.load %arg12[%swap3A_358, %swap3A_359] : memref<160x208xf32, #tpu.memory_space<vmem>>, vector<20x208xf32>
    tpu.vector_store %arg12[%swap3A_358, %swap3A_359], %mul3A_357 {strides = array<i32>} : memref<160x208xf32, #tpu.memory_space<vmem>>, vector<20x208xf32>,
    %get3A_361 = arith.constant 3 : index
    %get3A_362 = arith.constant 0 : index
    %get3A_363 = vector.load %arg0[%get3A_361, %get3A_362] : memref<8x200xi32, #tpu.memory_space<vmem>>, vector<1x200xi32>
    %get3A_364 = vector.shape_cast %get3A_363 : vector<1x200xi32> to vector<200xi32>
    %broadcast_in_dim3A_365 = vector.shape_cast %get3A_364 : vector<200xi32> to vector<200x1xi32>
    %broadcast_in_dim3A_366 = vector.shape_cast %get3A_364 : vector<200xi32> to vector<1x200xi32>
    %eq3A_367 = vector.broadcast %broadcast_in_dim3A_365 : vector<200x1xi32> to vector<200x200xi32>
    %eq3A_368 = vector.broadcast %broadcast_in_dim3A_366 : vector<1x200xi32> to vector<200x200xi32>
    %eq3A_369 = arith.cmpi eq, %eq3A_367, %eq3A_368 : vector<200x200xi32>
    %convert_element_type3A_370 = arith.extui %eq3A_369 : vector<200x200xi1> to vector<200x200xi32>
    %convert_element_type3A_371 = arith.sitofp %convert_element_type3A_370 : vector<200x200xi32> to vector<200x200xf32>
    %get3A_372 = arith.constant 3 : index
    %get3A_373 = arith.constant 0 : index
    %get3A_374 = arith.constant 0 : index
    %get3A_375 = vector.load %arg1[%get3A_372, %get3A_373, %get3A_374] : memref<8x20x200xf32, #tpu.memory_space<vmem>>, vector<1x20x200xf32>
    %get3A_376 = vector.shape_cast %get3A_375 : vector<1x20x200xf32> to vector<20x200xf32>
    %dot_general3A_377 = arith.constant dense<0.000000e+00> : vector<20x200xf32>
    %dot_general3A_378 = tpu.matmul %get3A_376, %convert_element_type3A_371, %dot_general3A_377 {dimension_numbers = #tpu.dot_dimension_numbers<[1], [0], [0], [1], [0, 0, 1, 1], [], []>, transpose_lhs_hint = false} : vector<20x200xf32>, vector<200x200xf32>, vector<20x200xf32> -> vector<20x200xf32>
    %convert_element_type3A_379 = arith.extui %lt3A : vector<200x200xi1> to vector<200x200xi32>
    %convert_element_type3A_380 = arith.sitofp %convert_element_type3A_379 : vector<200x200xi32> to vector<200x200xf32>
    %mul3A_381 = arith.mulf %convert_element_type3A_371, %convert_element_type3A_380 : vector<200x200xf32>
    %reduce_sum3A_382 = arith.constant dense<0.000000e+00> : vector<200xf32>
    %reduce_sum3A_383 = vector.multi_reduction <add>, %mul3A_381, %reduce_sum3A_382 [0] : vector<200x200xf32> to vector<200xf32>
    %eq3A_384 = arith.constant 0.000000e+00 : f32
    %eq3A_385 = vector.broadcast %eq3A_384 : f32 to vector<200xf32>
    %eq3A_386 = arith.cmpf oeq, %reduce_sum3A_383, %eq3A_385 : vector<200xf32>
    %convert_element_type3A_387 = arith.extui %eq3A_386 : vector<200xi1> to vector<200xi32>
    %convert_element_type3A_388 = arith.sitofp %convert_element_type3A_387 : vector<200xi32> to vector<200xf32>
    %reduce_sum3A_389 = vector.shape_cast %convert_element_type3A_388 : vector<200xf32> to vector<1x200xf32>
    %reduce_sum3A_390 = arith.constant dense<0.000000e+00> : vector<1xf32>
    %reduce_sum3A_391 = vector.multi_reduction <add>, %reduce_sum3A_389, %reduce_sum3A_390 [1] : vector<1x200xf32> to vector<1xf32>
    %reduce_sum3A_392 = vector.shape_cast %reduce_sum3A_391 : vector<1xf32> to vector<1x1xf32>
    %reduce_sum3A_393 = vector.extract %reduce_sum3A_392[0, 0] : f32 from vector<1x1xf32>
    %sub3A_394 = arith.constant 1.000000e+05 : f32
    %sub3A_395 = arith.subf %sub3A_394, %reduce_sum3A_393 : f32
    %reduce_max3A_396 = arith.constant dense<0xFF800000> : vector<20xf32>
    %reduce_max3A_397 = vector.multi_reduction <maximumf>, %dot_general3A_378, %reduce_max3A_396 [1] : vector<20x200xf32> to vector<20xf32>
    %max3A_398 = arith.constant 0.000000e+00 : f32
    %max3A_399 = vector.broadcast %max3A_398 : f32 to vector<20xf32>
    %max3A_400 = arith.maximumf %reduce_max3A_397, %max3A_399 : vector<20xf32>
    %neg3A_401 = arith.constant 0.000000e+00 : f32
    %neg3A_402 = vector.broadcast %neg3A_401 : f32 to vector<20xf32>
    %neg3A_403 = arith.subf %neg3A_402, %max3A_400 : vector<20xf32>
    %exp3A_404 = math.exp %neg3A_403 : vector<20xf32>
    %mul3A_405 = vector.broadcast %sub3A_395 : f32 to vector<20xf32>
    %mul3A_406 = arith.mulf %mul3A_405, %exp3A_404 : vector<20xf32>
    %broadcast_in_dim3A_407 = vector.shape_cast %convert_element_type3A_388 : vector<200xf32> to vector<1x200xf32>
    %broadcast_in_dim3A_408 = vector.shape_cast %max3A_400 : vector<20xf32> to vector<20x1xf32>
    %sub3A_409 = vector.broadcast %broadcast_in_dim3A_408 : vector<20x1xf32> to vector<20x200xf32>
    %sub3A_410 = arith.subf %dot_general3A_378, %sub3A_409 : vector<20x200xf32>
    %exp3A_411 = math.exp %sub3A_410 : vector<20x200xf32>
    %mul3A_412 = vector.broadcast %broadcast_in_dim3A_407 : vector<1x200xf32> to vector<20x200xf32>
    %mul3A_413 = arith.mulf %mul3A_412, %exp3A_411 : vector<20x200xf32>
    %reduce_sum3A_414 = arith.constant dense<0.000000e+00> : vector<20xf32>
    %reduce_sum3A_415 = vector.multi_reduction <add>, %mul3A_413, %reduce_sum3A_414 [1] : vector<20x200xf32> to vector<20xf32>
    %add3A_416 = arith.addf %mul3A_406, %reduce_sum3A_415 : vector<20xf32>
    %log3A_417 = math.log %add3A_416 : vector<20xf32>
    %add3A_418 = arith.addf %max3A_400, %log3A_417 : vector<20xf32>
    %slice3A_419 = vector.extract_strided_slice %logistic3A_32 {offsets = [60, 0], sizes = [20, 1], strides = [1, 1]} : vector<160x1xf32> to vector<20x1xf32>
    %squeeze3A_420 = vector.shape_cast %slice3A_419 : vector<20x1xf32> to vector<20xf32>
    %sub3A_421 = arith.constant 1.000000e+00 : f32
    %sub3A_422 = vector.broadcast %sub3A_421 : f32 to vector<20xf32>
    %sub3A_423 = arith.subf %sub3A_422, %squeeze3A_420 : vector<20xf32>
    %broadcast_in_dim3A_424 = vector.shape_cast %squeeze3A_420 : vector<20xf32> to vector<20x1xf32>
    %broadcast_in_dim3A_425 = vector.shape_cast %broadcast_in_dim3A_424 : vector<20x1xf32> to vector<20x1xf32>
    %broadcast_in_dim3A_426 = vector.broadcast %broadcast_in_dim3A_425 : vector<20x1xf32> to vector<20x16xf32>
    %swap3A_427 = arith.constant 60 : index
    %swap3A_428 = arith.constant 0 : index
    %swap3A_429 = vector.load %arg9[%swap3A_427, %swap3A_428] : memref<160x16xf32, #tpu.memory_space<vmem>>, vector<20x16xf32>
    tpu.vector_store %arg9[%swap3A_427, %swap3A_428], %broadcast_in_dim3A_426 {strides = array<i32>} : memref<160x16xf32, #tpu.memory_space<vmem>>, vector<20x16xf32>,
    %mul3A_430 = arith.mulf %sub3A_423, %add3A_418 : vector<20xf32>
    %neg3A_431 = arith.constant 0.000000e+00 : f32
    %neg3A_432 = vector.broadcast %neg3A_431 : f32 to vector<20xf32>
    %neg3A_433 = arith.subf %neg3A_432, %mul3A_430 : vector<20xf32>
    %broadcast_in_dim3A_434 = vector.shape_cast %neg3A_433 : vector<20xf32> to vector<20x1xf32>
    %broadcast_in_dim3A_435 = vector.shape_cast %broadcast_in_dim3A_434 : vector<20x1xf32> to vector<20x1xf32>
    %broadcast_in_dim3A_436 = vector.broadcast %broadcast_in_dim3A_435 : vector<20x1xf32> to vector<20x16xf32>
    %swap3A_437 = arith.constant 60 : index
    %swap3A_438 = arith.constant 0 : index
    %swap3A_439 = vector.load %arg10[%swap3A_437, %swap3A_438] : memref<160x16xf32, #tpu.memory_space<vmem>>, vector<20x16xf32>
    tpu.vector_store %arg10[%swap3A_437, %swap3A_438], %broadcast_in_dim3A_436 {strides = array<i32>} : memref<160x16xf32, #tpu.memory_space<vmem>>, vector<20x16xf32>,
    %iota3A_440 = tpu.iota {dimensions = array<i32: 1>} : vector<20x208xi32>
    %broadcast_in_dim3A_441 = arith.constant 0 : i32
    %broadcast_in_dim3A_442 = vector.broadcast %broadcast_in_dim3A_441 : i32 to vector<8xi32>
    %concatenate3A_443 = tpu.concatenate %get3A_364, %broadcast_in_dim3A_442 in 0 : vector<200xi32>, vector<8xi32> -> vector<208xi32>
    %broadcast_in_dim3A_444 = arith.constant 0.000000e+00 : f32
    %broadcast_in_dim3A_445 = vector.broadcast %broadcast_in_dim3A_444 : f32 to vector<8xf32>
    %concatenate3A_446 = tpu.concatenate %convert_element_type3A_388, %broadcast_in_dim3A_445 in 0 : vector<200xf32>, vector<8xf32> -> vector<208xf32>
    %broadcast_in_dim3A_447 = vector.shape_cast %concatenate3A_443 : vector<208xi32> to vector<1x208xi32>
    %broadcast_in_dim3A_448 = vector.shape_cast %broadcast_in_dim3A_447 : vector<1x208xi32> to vector<1x208xi32>
    %broadcast_in_dim3A_449 = vector.broadcast %broadcast_in_dim3A_448 : vector<1x208xi32> to vector<20x208xi32>
    %broadcast_in_dim3A_450 = vector.shape_cast %concatenate3A_446 : vector<208xf32> to vector<1x208xf32>
    %broadcast_in_dim3A_451 = vector.shape_cast %broadcast_in_dim3A_450 : vector<1x208xf32> to vector<1x208xf32>
    %broadcast_in_dim3A_452 = vector.broadcast %broadcast_in_dim3A_451 : vector<1x208xf32> to vector<20x208xf32>
    %gt3A_453 = arith.constant 0.000000e+00 : f32
    %gt3A_454 = vector.broadcast %gt3A_453 : f32 to vector<20x208xf32>
    %gt3A_455 = arith.cmpf ogt, %broadcast_in_dim3A_452, %gt3A_454 : vector<20x208xf32>
    %and3A_456 = arith.constant 15 : i32
    %and3A_457 = vector.broadcast %and3A_456 : i32 to vector<20x208xi32>
    %and3A_458 = arith.andi %iota3A_440, %and3A_457 : vector<20x208xi32>
    %add3A_459 = arith.constant 100000 : i32
    %add3A_460 = vector.broadcast %add3A_459 : i32 to vector<20x208xi32>
    %add3A_461 = arith.addi %add3A_460, %and3A_458 : vector<20x208xi32>
    %select_n3A_462 = arith.select %gt3A_455, %broadcast_in_dim3A_449, %add3A_461 : vector<20x208xi1>, vector<20x208xi32>
    %swap3A_463 = arith.constant 60 : index
    %swap3A_464 = arith.constant 0 : index
    %swap3A_465 = vector.load %arg11[%swap3A_463, %swap3A_464] : memref<160x208xi32, #tpu.memory_space<vmem>>, vector<20x208xi32>
    tpu.vector_store %arg11[%swap3A_463, %swap3A_464], %select_n3A_462 {strides = array<i32>} : memref<160x208xi32, #tpu.memory_space<vmem>>, vector<20x208xi32>,
    %broadcast_in_dim3A_466 = arith.constant 0.000000e+00 : f32
    %broadcast_in_dim3A_467 = vector.broadcast %broadcast_in_dim3A_466 : f32 to vector<20x8xf32>
    %concatenate3A_468 = tpu.concatenate %dot_general3A_378, %broadcast_in_dim3A_467 in 1 : vector<20x200xf32>, vector<20x8xf32> -> vector<20x208xf32>
    %broadcast_in_dim3A_469 = vector.shape_cast %sub3A_423 : vector<20xf32> to vector<20x1xf32>
    %mul3A_470 = vector.broadcast %broadcast_in_dim3A_469 : vector<20x1xf32> to vector<20x208xf32>
    %mul3A_471 = arith.mulf %mul3A_470, %concatenate3A_468 : vector<20x208xf32>
    %mul3A_472 = arith.mulf %mul3A_471, %broadcast_in_dim3A_452 : vector<20x208xf32>
    %swap3A_473 = arith.constant 60 : index
    %swap3A_474 = arith.constant 0 : index
    %swap3A_475 = vector.load %arg12[%swap3A_473, %swap3A_474] : memref<160x208xf32, #tpu.memory_space<vmem>>, vector<20x208xf32>
    tpu.vector_store %arg12[%swap3A_473, %swap3A_474], %mul3A_472 {strides = array<i32>} : memref<160x208xf32, #tpu.memory_space<vmem>>, vector<20x208xf32>,
    %get3A_476 = arith.constant 4 : index
    %get3A_477 = arith.constant 0 : index
    %get3A_478 = vector.load %arg0[%get3A_476, %get3A_477] : memref<8x200xi32, #tpu.memory_space<vmem>>, vector<1x200xi32>
    %get3A_479 = vector.shape_cast %get3A_478 : vector<1x200xi32> to vector<200xi32>
    %broadcast_in_dim3A_480 = vector.shape_cast %get3A_479 : vector<200xi32> to vector<200x1xi32>
    %broadcast_in_dim3A_481 = vector.shape_cast %get3A_479 : vector<200xi32> to vector<1x200xi32>
    %eq3A_482 = vector.broadcast %broadcast_in_dim3A_480 : vector<200x1xi32> to vector<200x200xi32>
    %eq3A_483 = vector.broadcast %broadcast_in_dim3A_481 : vector<1x200xi32> to vector<200x200xi32>
    %eq3A_484 = arith.cmpi eq, %eq3A_482, %eq3A_483 : vector<200x200xi32>
    %convert_element_type3A_485 = arith.extui %eq3A_484 : vector<200x200xi1> to vector<200x200xi32>
    %convert_element_type3A_486 = arith.sitofp %convert_element_type3A_485 : vector<200x200xi32> to vector<200x200xf32>
    %get3A_487 = arith.constant 4 : index
    %get3A_488 = arith.constant 0 : index
    %get3A_489 = arith.constant 0 : index
    %get3A_490 = vector.load %arg1[%get3A_487, %get3A_488, %get3A_489] : memref<8x20x200xf32, #tpu.memory_space<vmem>>, vector<1x20x200xf32>
    %get3A_491 = vector.shape_cast %get3A_490 : vector<1x20x200xf32> to vector<20x200xf32>
    %dot_general3A_492 = arith.constant dense<0.000000e+00> : vector<20x200xf32>
    %dot_general3A_493 = tpu.matmul %get3A_491, %convert_element_type3A_486, %dot_general3A_492 {dimension_numbers = #tpu.dot_dimension_numbers<[1], [0], [0], [1], [0, 0, 1, 1], [], []>, transpose_lhs_hint = false} : vector<20x200xf32>, vector<200x200xf32>, vector<20x200xf32> -> vector<20x200xf32>
    %convert_element_type3A_494 = arith.extui %lt3A : vector<200x200xi1> to vector<200x200xi32>
    %convert_element_type3A_495 = arith.sitofp %convert_element_type3A_494 : vector<200x200xi32> to vector<200x200xf32>
    %mul3A_496 = arith.mulf %convert_element_type3A_486, %convert_element_type3A_495 : vector<200x200xf32>
    %reduce_sum3A_497 = arith.constant dense<0.000000e+00> : vector<200xf32>
    %reduce_sum3A_498 = vector.multi_reduction <add>, %mul3A_496, %reduce_sum3A_497 [0] : vector<200x200xf32> to vector<200xf32>
    %eq3A_499 = arith.constant 0.000000e+00 : f32
    %eq3A_500 = vector.broadcast %eq3A_499 : f32 to vector<200xf32>
    %eq3A_501 = arith.cmpf oeq, %reduce_sum3A_498, %eq3A_500 : vector<200xf32>
    %convert_element_type3A_502 = arith.extui %eq3A_501 : vector<200xi1> to vector<200xi32>
    %convert_element_type3A_503 = arith.sitofp %convert_element_type3A_502 : vector<200xi32> to vector<200xf32>
    %reduce_sum3A_504 = vector.shape_cast %convert_element_type3A_503 : vector<200xf32> to vector<1x200xf32>
    %reduce_sum3A_505 = arith.constant dense<0.000000e+00> : vector<1xf32>
    %reduce_sum3A_506 = vector.multi_reduction <add>, %reduce_sum3A_504, %reduce_sum3A_505 [1] : vector<1x200xf32> to vector<1xf32>
    %reduce_sum3A_507 = vector.shape_cast %reduce_sum3A_506 : vector<1xf32> to vector<1x1xf32>
    %reduce_sum3A_508 = vector.extract %reduce_sum3A_507[0, 0] : f32 from vector<1x1xf32>
    %sub3A_509 = arith.constant 1.000000e+05 : f32
    %sub3A_510 = arith.subf %sub3A_509, %reduce_sum3A_508 : f32
    %reduce_max3A_511 = arith.constant dense<0xFF800000> : vector<20xf32>
    %reduce_max3A_512 = vector.multi_reduction <maximumf>, %dot_general3A_493, %reduce_max3A_511 [1] : vector<20x200xf32> to vector<20xf32>
    %max3A_513 = arith.constant 0.000000e+00 : f32
    %max3A_514 = vector.broadcast %max3A_513 : f32 to vector<20xf32>
    %max3A_515 = arith.maximumf %reduce_max3A_512, %max3A_514 : vector<20xf32>
    %neg3A_516 = arith.constant 0.000000e+00 : f32
    %neg3A_517 = vector.broadcast %neg3A_516 : f32 to vector<20xf32>
    %neg3A_518 = arith.subf %neg3A_517, %max3A_515 : vector<20xf32>
    %exp3A_519 = math.exp %neg3A_518 : vector<20xf32>
    %mul3A_520 = vector.broadcast %sub3A_510 : f32 to vector<20xf32>
    %mul3A_521 = arith.mulf %mul3A_520, %exp3A_519 : vector<20xf32>
    %broadcast_in_dim3A_522 = vector.shape_cast %convert_element_type3A_503 : vector<200xf32> to vector<1x200xf32>
    %broadcast_in_dim3A_523 = vector.shape_cast %max3A_515 : vector<20xf32> to vector<20x1xf32>
    %sub3A_524 = vector.broadcast %broadcast_in_dim3A_523 : vector<20x1xf32> to vector<20x200xf32>
    %sub3A_525 = arith.subf %dot_general3A_493, %sub3A_524 : vector<20x200xf32>
    %exp3A_526 = math.exp %sub3A_525 : vector<20x200xf32>
    %mul3A_527 = vector.broadcast %broadcast_in_dim3A_522 : vector<1x200xf32> to vector<20x200xf32>
    %mul3A_528 = arith.mulf %mul3A_527, %exp3A_526 : vector<20x200xf32>
    %reduce_sum3A_529 = arith.constant dense<0.000000e+00> : vector<20xf32>
    %reduce_sum3A_530 = vector.multi_reduction <add>, %mul3A_528, %reduce_sum3A_529 [1] : vector<20x200xf32> to vector<20xf32>
    %add3A_531 = arith.addf %mul3A_521, %reduce_sum3A_530 : vector<20xf32>
    %log3A_532 = math.log %add3A_531 : vector<20xf32>
    %add3A_533 = arith.addf %max3A_515, %log3A_532 : vector<20xf32>
    %slice3A_534 = vector.extract_strided_slice %logistic3A_32 {offsets = [80, 0], sizes = [20, 1], strides = [1, 1]} : vector<160x1xf32> to vector<20x1xf32>
    %squeeze3A_535 = vector.shape_cast %slice3A_534 : vector<20x1xf32> to vector<20xf32>
    %sub3A_536 = arith.constant 1.000000e+00 : f32
    %sub3A_537 = vector.broadcast %sub3A_536 : f32 to vector<20xf32>
    %sub3A_538 = arith.subf %sub3A_537, %squeeze3A_535 : vector<20xf32>
    %broadcast_in_dim3A_539 = vector.shape_cast %squeeze3A_535 : vector<20xf32> to vector<20x1xf32>
    %broadcast_in_dim3A_540 = vector.shape_cast %broadcast_in_dim3A_539 : vector<20x1xf32> to vector<20x1xf32>
    %broadcast_in_dim3A_541 = vector.broadcast %broadcast_in_dim3A_540 : vector<20x1xf32> to vector<20x16xf32>
    %swap3A_542 = arith.constant 80 : index
    %swap3A_543 = arith.constant 0 : index
    %swap3A_544 = vector.load %arg9[%swap3A_542, %swap3A_543] : memref<160x16xf32, #tpu.memory_space<vmem>>, vector<20x16xf32>
    tpu.vector_store %arg9[%swap3A_542, %swap3A_543], %broadcast_in_dim3A_541 {strides = array<i32>} : memref<160x16xf32, #tpu.memory_space<vmem>>, vector<20x16xf32>,
    %mul3A_545 = arith.mulf %sub3A_538, %add3A_533 : vector<20xf32>
    %neg3A_546 = arith.constant 0.000000e+00 : f32
    %neg3A_547 = vector.broadcast %neg3A_546 : f32 to vector<20xf32>
    %neg3A_548 = arith.subf %neg3A_547, %mul3A_545 : vector<20xf32>
    %broadcast_in_dim3A_549 = vector.shape_cast %neg3A_548 : vector<20xf32> to vector<20x1xf32>
    %broadcast_in_dim3A_550 = vector.shape_cast %broadcast_in_dim3A_549 : vector<20x1xf32> to vector<20x1xf32>
    %broadcast_in_dim3A_551 = vector.broadcast %broadcast_in_dim3A_550 : vector<20x1xf32> to vector<20x16xf32>
    %swap3A_552 = arith.constant 80 : index
    %swap3A_553 = arith.constant 0 : index
    %swap3A_554 = vector.load %arg10[%swap3A_552, %swap3A_553] : memref<160x16xf32, #tpu.memory_space<vmem>>, vector<20x16xf32>
    tpu.vector_store %arg10[%swap3A_552, %swap3A_553], %broadcast_in_dim3A_551 {strides = array<i32>} : memref<160x16xf32, #tpu.memory_space<vmem>>, vector<20x16xf32>,
    %iota3A_555 = tpu.iota {dimensions = array<i32: 1>} : vector<20x208xi32>
    %broadcast_in_dim3A_556 = arith.constant 0 : i32
    %broadcast_in_dim3A_557 = vector.broadcast %broadcast_in_dim3A_556 : i32 to vector<8xi32>
    %concatenate3A_558 = tpu.concatenate %get3A_479, %broadcast_in_dim3A_557 in 0 : vector<200xi32>, vector<8xi32> -> vector<208xi32>
    %broadcast_in_dim3A_559 = arith.constant 0.000000e+00 : f32
    %broadcast_in_dim3A_560 = vector.broadcast %broadcast_in_dim3A_559 : f32 to vector<8xf32>
    %concatenate3A_561 = tpu.concatenate %convert_element_type3A_503, %broadcast_in_dim3A_560 in 0 : vector<200xf32>, vector<8xf32> -> vector<208xf32>
    %broadcast_in_dim3A_562 = vector.shape_cast %concatenate3A_558 : vector<208xi32> to vector<1x208xi32>
    %broadcast_in_dim3A_563 = vector.shape_cast %broadcast_in_dim3A_562 : vector<1x208xi32> to vector<1x208xi32>
    %broadcast_in_dim3A_564 = vector.broadcast %broadcast_in_dim3A_563 : vector<1x208xi32> to vector<20x208xi32>
    %broadcast_in_dim3A_565 = vector.shape_cast %concatenate3A_561 : vector<208xf32> to vector<1x208xf32>
    %broadcast_in_dim3A_566 = vector.shape_cast %broadcast_in_dim3A_565 : vector<1x208xf32> to vector<1x208xf32>
    %broadcast_in_dim3A_567 = vector.broadcast %broadcast_in_dim3A_566 : vector<1x208xf32> to vector<20x208xf32>
    %gt3A_568 = arith.constant 0.000000e+00 : f32
    %gt3A_569 = vector.broadcast %gt3A_568 : f32 to vector<20x208xf32>
    %gt3A_570 = arith.cmpf ogt, %broadcast_in_dim3A_567, %gt3A_569 : vector<20x208xf32>
    %and3A_571 = arith.constant 15 : i32
    %and3A_572 = vector.broadcast %and3A_571 : i32 to vector<20x208xi32>
    %and3A_573 = arith.andi %iota3A_555, %and3A_572 : vector<20x208xi32>
    %add3A_574 = arith.constant 100000 : i32
    %add3A_575 = vector.broadcast %add3A_574 : i32 to vector<20x208xi32>
    %add3A_576 = arith.addi %add3A_575, %and3A_573 : vector<20x208xi32>
    %select_n3A_577 = arith.select %gt3A_570, %broadcast_in_dim3A_564, %add3A_576 : vector<20x208xi1>, vector<20x208xi32>
    %swap3A_578 = arith.constant 80 : index
    %swap3A_579 = arith.constant 0 : index
    %swap3A_580 = vector.load %arg11[%swap3A_578, %swap3A_579] : memref<160x208xi32, #tpu.memory_space<vmem>>, vector<20x208xi32>
    tpu.vector_store %arg11[%swap3A_578, %swap3A_579], %select_n3A_577 {strides = array<i32>} : memref<160x208xi32, #tpu.memory_space<vmem>>, vector<20x208xi32>,
    %broadcast_in_dim3A_581 = arith.constant 0.000000e+00 : f32
    %broadcast_in_dim3A_582 = vector.broadcast %broadcast_in_dim3A_581 : f32 to vector<20x8xf32>
    %concatenate3A_583 = tpu.concatenate %dot_general3A_493, %broadcast_in_dim3A_582 in 1 : vector<20x200xf32>, vector<20x8xf32> -> vector<20x208xf32>
    %broadcast_in_dim3A_584 = vector.shape_cast %sub3A_538 : vector<20xf32> to vector<20x1xf32>
    %mul3A_585 = vector.broadcast %broadcast_in_dim3A_584 : vector<20x1xf32> to vector<20x208xf32>
    %mul3A_586 = arith.mulf %mul3A_585, %concatenate3A_583 : vector<20x208xf32>
    %mul3A_587 = arith.mulf %mul3A_586, %broadcast_in_dim3A_567 : vector<20x208xf32>
    %swap3A_588 = arith.constant 80 : index
    %swap3A_589 = arith.constant 0 : index
    %swap3A_590 = vector.load %arg12[%swap3A_588, %swap3A_589] : memref<160x208xf32, #tpu.memory_space<vmem>>, vector<20x208xf32>
    tpu.vector_store %arg12[%swap3A_588, %swap3A_589], %mul3A_587 {strides = array<i32>} : memref<160x208xf32, #tpu.memory_space<vmem>>, vector<20x208xf32>,
    %get3A_591 = arith.constant 5 : index
    %get3A_592 = arith.constant 0 : index
    %get3A_593 = vector.load %arg0[%get3A_591, %get3A_592] : memref<8x200xi32, #tpu.memory_space<vmem>>, vector<1x200xi32>
    %get3A_594 = vector.shape_cast %get3A_593 : vector<1x200xi32> to vector<200xi32>
    %broadcast_in_dim3A_595 = vector.shape_cast %get3A_594 : vector<200xi32> to vector<200x1xi32>
    %broadcast_in_dim3A_596 = vector.shape_cast %get3A_594 : vector<200xi32> to vector<1x200xi32>
    %eq3A_597 = vector.broadcast %broadcast_in_dim3A_595 : vector<200x1xi32> to vector<200x200xi32>
    %eq3A_598 = vector.broadcast %broadcast_in_dim3A_596 : vector<1x200xi32> to vector<200x200xi32>
    %eq3A_599 = arith.cmpi eq, %eq3A_597, %eq3A_598 : vector<200x200xi32>
    %convert_element_type3A_600 = arith.extui %eq3A_599 : vector<200x200xi1> to vector<200x200xi32>
    %convert_element_type3A_601 = arith.sitofp %convert_element_type3A_600 : vector<200x200xi32> to vector<200x200xf32>
    %get3A_602 = arith.constant 5 : index
    %get3A_603 = arith.constant 0 : index
    %get3A_604 = arith.constant 0 : index
    %get3A_605 = vector.load %arg1[%get3A_602, %get3A_603, %get3A_604] : memref<8x20x200xf32, #tpu.memory_space<vmem>>, vector<1x20x200xf32>
    %get3A_606 = vector.shape_cast %get3A_605 : vector<1x20x200xf32> to vector<20x200xf32>
    %dot_general3A_607 = arith.constant dense<0.000000e+00> : vector<20x200xf32>
    %dot_general3A_608 = tpu.matmul %get3A_606, %convert_element_type3A_601, %dot_general3A_607 {dimension_numbers = #tpu.dot_dimension_numbers<[1], [0], [0], [1], [0, 0, 1, 1], [], []>, transpose_lhs_hint = false} : vector<20x200xf32>, vector<200x200xf32>, vector<20x200xf32> -> vector<20x200xf32>
    %convert_element_type3A_609 = arith.extui %lt3A : vector<200x200xi1> to vector<200x200xi32>
    %convert_element_type3A_610 = arith.sitofp %convert_element_type3A_609 : vector<200x200xi32> to vector<200x200xf32>
    %mul3A_611 = arith.mulf %convert_element_type3A_601, %convert_element_type3A_610 : vector<200x200xf32>
    %reduce_sum3A_612 = arith.constant dense<0.000000e+00> : vector<200xf32>
    %reduce_sum3A_613 = vector.multi_reduction <add>, %mul3A_611, %reduce_sum3A_612 [0] : vector<200x200xf32> to vector<200xf32>
    %eq3A_614 = arith.constant 0.000000e+00 : f32
    %eq3A_615 = vector.broadcast %eq3A_614 : f32 to vector<200xf32>
    %eq3A_616 = arith.cmpf oeq, %reduce_sum3A_613, %eq3A_615 : vector<200xf32>
    %convert_element_type3A_617 = arith.extui %eq3A_616 : vector<200xi1> to vector<200xi32>
    %convert_element_type3A_618 = arith.sitofp %convert_element_type3A_617 : vector<200xi32> to vector<200xf32>
    %reduce_sum3A_619 = vector.shape_cast %convert_element_type3A_618 : vector<200xf32> to vector<1x200xf32>
    %reduce_sum3A_620 = arith.constant dense<0.000000e+00> : vector<1xf32>
    %reduce_sum3A_621 = vector.multi_reduction <add>, %reduce_sum3A_619, %reduce_sum3A_620 [1] : vector<1x200xf32> to vector<1xf32>
    %reduce_sum3A_622 = vector.shape_cast %reduce_sum3A_621 : vector<1xf32> to vector<1x1xf32>
    %reduce_sum3A_623 = vector.extract %reduce_sum3A_622[0, 0] : f32 from vector<1x1xf32>
    %sub3A_624 = arith.constant 1.000000e+05 : f32
    %sub3A_625 = arith.subf %sub3A_624, %reduce_sum3A_623 : f32
    %reduce_max3A_626 = arith.constant dense<0xFF800000> : vector<20xf32>
    %reduce_max3A_627 = vector.multi_reduction <maximumf>, %dot_general3A_608, %reduce_max3A_626 [1] : vector<20x200xf32> to vector<20xf32>
    %max3A_628 = arith.constant 0.000000e+00 : f32
    %max3A_629 = vector.broadcast %max3A_628 : f32 to vector<20xf32>
    %max3A_630 = arith.maximumf %reduce_max3A_627, %max3A_629 : vector<20xf32>
    %neg3A_631 = arith.constant 0.000000e+00 : f32
    %neg3A_632 = vector.broadcast %neg3A_631 : f32 to vector<20xf32>
    %neg3A_633 = arith.subf %neg3A_632, %max3A_630 : vector<20xf32>
    %exp3A_634 = math.exp %neg3A_633 : vector<20xf32>
    %mul3A_635 = vector.broadcast %sub3A_625 : f32 to vector<20xf32>
    %mul3A_636 = arith.mulf %mul3A_635, %exp3A_634 : vector<20xf32>
    %broadcast_in_dim3A_637 = vector.shape_cast %convert_element_type3A_618 : vector<200xf32> to vector<1x200xf32>
    %broadcast_in_dim3A_638 = vector.shape_cast %max3A_630 : vector<20xf32> to vector<20x1xf32>
    %sub3A_639 = vector.broadcast %broadcast_in_dim3A_638 : vector<20x1xf32> to vector<20x200xf32>
    %sub3A_640 = arith.subf %dot_general3A_608, %sub3A_639 : vector<20x200xf32>
    %exp3A_641 = math.exp %sub3A_640 : vector<20x200xf32>
    %mul3A_642 = vector.broadcast %broadcast_in_dim3A_637 : vector<1x200xf32> to vector<20x200xf32>
    %mul3A_643 = arith.mulf %mul3A_642, %exp3A_641 : vector<20x200xf32>
    %reduce_sum3A_644 = arith.constant dense<0.000000e+00> : vector<20xf32>
    %reduce_sum3A_645 = vector.multi_reduction <add>, %mul3A_643, %reduce_sum3A_644 [1] : vector<20x200xf32> to vector<20xf32>
    %add3A_646 = arith.addf %mul3A_636, %reduce_sum3A_645 : vector<20xf32>
    %log3A_647 = math.log %add3A_646 : vector<20xf32>
    %add3A_648 = arith.addf %max3A_630, %log3A_647 : vector<20xf32>
    %slice3A_649 = vector.extract_strided_slice %logistic3A_32 {offsets = [100, 0], sizes = [20, 1], strides = [1, 1]} : vector<160x1xf32> to vector<20x1xf32>
    %squeeze3A_650 = vector.shape_cast %slice3A_649 : vector<20x1xf32> to vector<20xf32>
    %sub3A_651 = arith.constant 1.000000e+00 : f32
    %sub3A_652 = vector.broadcast %sub3A_651 : f32 to vector<20xf32>
    %sub3A_653 = arith.subf %sub3A_652, %squeeze3A_650 : vector<20xf32>
    %broadcast_in_dim3A_654 = vector.shape_cast %squeeze3A_650 : vector<20xf32> to vector<20x1xf32>
    %broadcast_in_dim3A_655 = vector.shape_cast %broadcast_in_dim3A_654 : vector<20x1xf32> to vector<20x1xf32>
    %broadcast_in_dim3A_656 = vector.broadcast %broadcast_in_dim3A_655 : vector<20x1xf32> to vector<20x16xf32>
    %swap3A_657 = arith.constant 100 : index
    %swap3A_658 = arith.constant 0 : index
    %swap3A_659 = vector.load %arg9[%swap3A_657, %swap3A_658] : memref<160x16xf32, #tpu.memory_space<vmem>>, vector<20x16xf32>
    tpu.vector_store %arg9[%swap3A_657, %swap3A_658], %broadcast_in_dim3A_656 {strides = array<i32>} : memref<160x16xf32, #tpu.memory_space<vmem>>, vector<20x16xf32>,
    %mul3A_660 = arith.mulf %sub3A_653, %add3A_648 : vector<20xf32>
    %neg3A_661 = arith.constant 0.000000e+00 : f32
    %neg3A_662 = vector.broadcast %neg3A_661 : f32 to vector<20xf32>
    %neg3A_663 = arith.subf %neg3A_662, %mul3A_660 : vector<20xf32>
    %broadcast_in_dim3A_664 = vector.shape_cast %neg3A_663 : vector<20xf32> to vector<20x1xf32>
    %broadcast_in_dim3A_665 = vector.shape_cast %broadcast_in_dim3A_664 : vector<20x1xf32> to vector<20x1xf32>
    %broadcast_in_dim3A_666 = vector.broadcast %broadcast_in_dim3A_665 : vector<20x1xf32> to vector<20x16xf32>
    %swap3A_667 = arith.constant 100 : index
    %swap3A_668 = arith.constant 0 : index
    %swap3A_669 = vector.load %arg10[%swap3A_667, %swap3A_668] : memref<160x16xf32, #tpu.memory_space<vmem>>, vector<20x16xf32>
    tpu.vector_store %arg10[%swap3A_667, %swap3A_668], %broadcast_in_dim3A_666 {strides = array<i32>} : memref<160x16xf32, #tpu.memory_space<vmem>>, vector<20x16xf32>,
    %iota3A_670 = tpu.iota {dimensions = array<i32: 1>} : vector<20x208xi32>
    %broadcast_in_dim3A_671 = arith.constant 0 : i32
    %broadcast_in_dim3A_672 = vector.broadcast %broadcast_in_dim3A_671 : i32 to vector<8xi32>
    %concatenate3A_673 = tpu.concatenate %get3A_594, %broadcast_in_dim3A_672 in 0 : vector<200xi32>, vector<8xi32> -> vector<208xi32>
    %broadcast_in_dim3A_674 = arith.constant 0.000000e+00 : f32
    %broadcast_in_dim3A_675 = vector.broadcast %broadcast_in_dim3A_674 : f32 to vector<8xf32>
    %concatenate3A_676 = tpu.concatenate %convert_element_type3A_618, %broadcast_in_dim3A_675 in 0 : vector<200xf32>, vector<8xf32> -> vector<208xf32>
    %broadcast_in_dim3A_677 = vector.shape_cast %concatenate3A_673 : vector<208xi32> to vector<1x208xi32>
    %broadcast_in_dim3A_678 = vector.shape_cast %broadcast_in_dim3A_677 : vector<1x208xi32> to vector<1x208xi32>
    %broadcast_in_dim3A_679 = vector.broadcast %broadcast_in_dim3A_678 : vector<1x208xi32> to vector<20x208xi32>
    %broadcast_in_dim3A_680 = vector.shape_cast %concatenate3A_676 : vector<208xf32> to vector<1x208xf32>
    %broadcast_in_dim3A_681 = vector.shape_cast %broadcast_in_dim3A_680 : vector<1x208xf32> to vector<1x208xf32>
    %broadcast_in_dim3A_682 = vector.broadcast %broadcast_in_dim3A_681 : vector<1x208xf32> to vector<20x208xf32>
    %gt3A_683 = arith.constant 0.000000e+00 : f32
    %gt3A_684 = vector.broadcast %gt3A_683 : f32 to vector<20x208xf32>
    %gt3A_685 = arith.cmpf ogt, %broadcast_in_dim3A_682, %gt3A_684 : vector<20x208xf32>
    %and3A_686 = arith.constant 15 : i32
    %and3A_687 = vector.broadcast %and3A_686 : i32 to vector<20x208xi32>
    %and3A_688 = arith.andi %iota3A_670, %and3A_687 : vector<20x208xi32>
    %add3A_689 = arith.constant 100000 : i32
    %add3A_690 = vector.broadcast %add3A_689 : i32 to vector<20x208xi32>
    %add3A_691 = arith.addi %add3A_690, %and3A_688 : vector<20x208xi32>
    %select_n3A_692 = arith.select %gt3A_685, %broadcast_in_dim3A_679, %add3A_691 : vector<20x208xi1>, vector<20x208xi32>
    %swap3A_693 = arith.constant 100 : index
    %swap3A_694 = arith.constant 0 : index
    %swap3A_695 = vector.load %arg11[%swap3A_693, %swap3A_694] : memref<160x208xi32, #tpu.memory_space<vmem>>, vector<20x208xi32>
    tpu.vector_store %arg11[%swap3A_693, %swap3A_694], %select_n3A_692 {strides = array<i32>} : memref<160x208xi32, #tpu.memory_space<vmem>>, vector<20x208xi32>,
    %broadcast_in_dim3A_696 = arith.constant 0.000000e+00 : f32
    %broadcast_in_dim3A_697 = vector.broadcast %broadcast_in_dim3A_696 : f32 to vector<20x8xf32>
    %concatenate3A_698 = tpu.concatenate %dot_general3A_608, %broadcast_in_dim3A_697 in 1 : vector<20x200xf32>, vector<20x8xf32> -> vector<20x208xf32>
    %broadcast_in_dim3A_699 = vector.shape_cast %sub3A_653 : vector<20xf32> to vector<20x1xf32>
    %mul3A_700 = vector.broadcast %broadcast_in_dim3A_699 : vector<20x1xf32> to vector<20x208xf32>
    %mul3A_701 = arith.mulf %mul3A_700, %concatenate3A_698 : vector<20x208xf32>
    %mul3A_702 = arith.mulf %mul3A_701, %broadcast_in_dim3A_682 : vector<20x208xf32>
    %swap3A_703 = arith.constant 100 : index
    %swap3A_704 = arith.constant 0 : index
    %swap3A_705 = vector.load %arg12[%swap3A_703, %swap3A_704] : memref<160x208xf32, #tpu.memory_space<vmem>>, vector<20x208xf32>
    tpu.vector_store %arg12[%swap3A_703, %swap3A_704], %mul3A_702 {strides = array<i32>} : memref<160x208xf32, #tpu.memory_space<vmem>>, vector<20x208xf32>,
    %get3A_706 = arith.constant 6 : index
    %get3A_707 = arith.constant 0 : index
    %get3A_708 = vector.load %arg0[%get3A_706, %get3A_707] : memref<8x200xi32, #tpu.memory_space<vmem>>, vector<1x200xi32>
    %get3A_709 = vector.shape_cast %get3A_708 : vector<1x200xi32> to vector<200xi32>
    %broadcast_in_dim3A_710 = vector.shape_cast %get3A_709 : vector<200xi32> to vector<200x1xi32>
    %broadcast_in_dim3A_711 = vector.shape_cast %get3A_709 : vector<200xi32> to vector<1x200xi32>
    %eq3A_712 = vector.broadcast %broadcast_in_dim3A_710 : vector<200x1xi32> to vector<200x200xi32>
    %eq3A_713 = vector.broadcast %broadcast_in_dim3A_711 : vector<1x200xi32> to vector<200x200xi32>
    %eq3A_714 = arith.cmpi eq, %eq3A_712, %eq3A_713 : vector<200x200xi32>
    %convert_element_type3A_715 = arith.extui %eq3A_714 : vector<200x200xi1> to vector<200x200xi32>
    %convert_element_type3A_716 = arith.sitofp %convert_element_type3A_715 : vector<200x200xi32> to vector<200x200xf32>
    %get3A_717 = arith.constant 6 : index
    %get3A_718 = arith.constant 0 : index
    %get3A_719 = arith.constant 0 : index
    %get3A_720 = vector.load %arg1[%get3A_717, %get3A_718, %get3A_719] : memref<8x20x200xf32, #tpu.memory_space<vmem>>, vector<1x20x200xf32>
    %get3A_721 = vector.shape_cast %get3A_720 : vector<1x20x200xf32> to vector<20x200xf32>
    %dot_general3A_722 = arith.constant dense<0.000000e+00> : vector<20x200xf32>
    %dot_general3A_723 = tpu.matmul %get3A_721, %convert_element_type3A_716, %dot_general3A_722 {dimension_numbers = #tpu.dot_dimension_numbers<[1], [0], [0], [1], [0, 0, 1, 1], [], []>, transpose_lhs_hint = false} : vector<20x200xf32>, vector<200x200xf32>, vector<20x200xf32> -> vector<20x200xf32>
    %convert_element_type3A_724 = arith.extui %lt3A : vector<200x200xi1> to vector<200x200xi32>
    %convert_element_type3A_725 = arith.sitofp %convert_element_type3A_724 : vector<200x200xi32> to vector<200x200xf32>
    %mul3A_726 = arith.mulf %convert_element_type3A_716, %convert_element_type3A_725 : vector<200x200xf32>
    %reduce_sum3A_727 = arith.constant dense<0.000000e+00> : vector<200xf32>
    %reduce_sum3A_728 = vector.multi_reduction <add>, %mul3A_726, %reduce_sum3A_727 [0] : vector<200x200xf32> to vector<200xf32>
    %eq3A_729 = arith.constant 0.000000e+00 : f32
    %eq3A_730 = vector.broadcast %eq3A_729 : f32 to vector<200xf32>
    %eq3A_731 = arith.cmpf oeq, %reduce_sum3A_728, %eq3A_730 : vector<200xf32>
    %convert_element_type3A_732 = arith.extui %eq3A_731 : vector<200xi1> to vector<200xi32>
    %convert_element_type3A_733 = arith.sitofp %convert_element_type3A_732 : vector<200xi32> to vector<200xf32>
    %reduce_sum3A_734 = vector.shape_cast %convert_element_type3A_733 : vector<200xf32> to vector<1x200xf32>
    %reduce_sum3A_735 = arith.constant dense<0.000000e+00> : vector<1xf32>
    %reduce_sum3A_736 = vector.multi_reduction <add>, %reduce_sum3A_734, %reduce_sum3A_735 [1] : vector<1x200xf32> to vector<1xf32>
    %reduce_sum3A_737 = vector.shape_cast %reduce_sum3A_736 : vector<1xf32> to vector<1x1xf32>
    %reduce_sum3A_738 = vector.extract %reduce_sum3A_737[0, 0] : f32 from vector<1x1xf32>
    %sub3A_739 = arith.constant 1.000000e+05 : f32
    %sub3A_740 = arith.subf %sub3A_739, %reduce_sum3A_738 : f32
    %reduce_max3A_741 = arith.constant dense<0xFF800000> : vector<20xf32>
    %reduce_max3A_742 = vector.multi_reduction <maximumf>, %dot_general3A_723, %reduce_max3A_741 [1] : vector<20x200xf32> to vector<20xf32>
    %max3A_743 = arith.constant 0.000000e+00 : f32
    %max3A_744 = vector.broadcast %max3A_743 : f32 to vector<20xf32>
    %max3A_745 = arith.maximumf %reduce_max3A_742, %max3A_744 : vector<20xf32>
    %neg3A_746 = arith.constant 0.000000e+00 : f32
    %neg3A_747 = vector.broadcast %neg3A_746 : f32 to vector<20xf32>
    %neg3A_748 = arith.subf %neg3A_747, %max3A_745 : vector<20xf32>
    %exp3A_749 = math.exp %neg3A_748 : vector<20xf32>
    %mul3A_750 = vector.broadcast %sub3A_740 : f32 to vector<20xf32>
    %mul3A_751 = arith.mulf %mul3A_750, %exp3A_749 : vector<20xf32>
    %broadcast_in_dim3A_752 = vector.shape_cast %convert_element_type3A_733 : vector<200xf32> to vector<1x200xf32>
    %broadcast_in_dim3A_753 = vector.shape_cast %max3A_745 : vector<20xf32> to vector<20x1xf32>
    %sub3A_754 = vector.broadcast %broadcast_in_dim3A_753 : vector<20x1xf32> to vector<20x200xf32>
    %sub3A_755 = arith.subf %dot_general3A_723, %sub3A_754 : vector<20x200xf32>
    %exp3A_756 = math.exp %sub3A_755 : vector<20x200xf32>
    %mul3A_757 = vector.broadcast %broadcast_in_dim3A_752 : vector<1x200xf32> to vector<20x200xf32>
    %mul3A_758 = arith.mulf %mul3A_757, %exp3A_756 : vector<20x200xf32>
    %reduce_sum3A_759 = arith.constant dense<0.000000e+00> : vector<20xf32>
    %reduce_sum3A_760 = vector.multi_reduction <add>, %mul3A_758, %reduce_sum3A_759 [1] : vector<20x200xf32> to vector<20xf32>
    %add3A_761 = arith.addf %mul3A_751, %reduce_sum3A_760 : vector<20xf32>
    %log3A_762 = math.log %add3A_761 : vector<20xf32>
    %add3A_763 = arith.addf %max3A_745, %log3A_762 : vector<20xf32>
    %slice3A_764 = vector.extract_strided_slice %logistic3A_32 {offsets = [120, 0], sizes = [20, 1], strides = [1, 1]} : vector<160x1xf32> to vector<20x1xf32>
    %squeeze3A_765 = vector.shape_cast %slice3A_764 : vector<20x1xf32> to vector<20xf32>
    %sub3A_766 = arith.constant 1.000000e+00 : f32
    %sub3A_767 = vector.broadcast %sub3A_766 : f32 to vector<20xf32>
    %sub3A_768 = arith.subf %sub3A_767, %squeeze3A_765 : vector<20xf32>
    %broadcast_in_dim3A_769 = vector.shape_cast %squeeze3A_765 : vector<20xf32> to vector<20x1xf32>
    %broadcast_in_dim3A_770 = vector.shape_cast %broadcast_in_dim3A_769 : vector<20x1xf32> to vector<20x1xf32>
    %broadcast_in_dim3A_771 = vector.broadcast %broadcast_in_dim3A_770 : vector<20x1xf32> to vector<20x16xf32>
    %swap3A_772 = arith.constant 120 : index
    %swap3A_773 = arith.constant 0 : index
    %swap3A_774 = vector.load %arg9[%swap3A_772, %swap3A_773] : memref<160x16xf32, #tpu.memory_space<vmem>>, vector<20x16xf32>
    tpu.vector_store %arg9[%swap3A_772, %swap3A_773], %broadcast_in_dim3A_771 {strides = array<i32>} : memref<160x16xf32, #tpu.memory_space<vmem>>, vector<20x16xf32>,
    %mul3A_775 = arith.mulf %sub3A_768, %add3A_763 : vector<20xf32>
    %neg3A_776 = arith.constant 0.000000e+00 : f32
    %neg3A_777 = vector.broadcast %neg3A_776 : f32 to vector<20xf32>
    %neg3A_778 = arith.subf %neg3A_777, %mul3A_775 : vector<20xf32>
    %broadcast_in_dim3A_779 = vector.shape_cast %neg3A_778 : vector<20xf32> to vector<20x1xf32>
    %broadcast_in_dim3A_780 = vector.shape_cast %broadcast_in_dim3A_779 : vector<20x1xf32> to vector<20x1xf32>
    %broadcast_in_dim3A_781 = vector.broadcast %broadcast_in_dim3A_780 : vector<20x1xf32> to vector<20x16xf32>
    %swap3A_782 = arith.constant 120 : index
    %swap3A_783 = arith.constant 0 : index
    %swap3A_784 = vector.load %arg10[%swap3A_782, %swap3A_783] : memref<160x16xf32, #tpu.memory_space<vmem>>, vector<20x16xf32>
    tpu.vector_store %arg10[%swap3A_782, %swap3A_783], %broadcast_in_dim3A_781 {strides = array<i32>} : memref<160x16xf32, #tpu.memory_space<vmem>>, vector<20x16xf32>,
    %iota3A_785 = tpu.iota {dimensions = array<i32: 1>} : vector<20x208xi32>
    %broadcast_in_dim3A_786 = arith.constant 0 : i32
    %broadcast_in_dim3A_787 = vector.broadcast %broadcast_in_dim3A_786 : i32 to vector<8xi32>
    %concatenate3A_788 = tpu.concatenate %get3A_709, %broadcast_in_dim3A_787 in 0 : vector<200xi32>, vector<8xi32> -> vector<208xi32>
    %broadcast_in_dim3A_789 = arith.constant 0.000000e+00 : f32
    %broadcast_in_dim3A_790 = vector.broadcast %broadcast_in_dim3A_789 : f32 to vector<8xf32>
    %concatenate3A_791 = tpu.concatenate %convert_element_type3A_733, %broadcast_in_dim3A_790 in 0 : vector<200xf32>, vector<8xf32> -> vector<208xf32>
    %broadcast_in_dim3A_792 = vector.shape_cast %concatenate3A_788 : vector<208xi32> to vector<1x208xi32>
    %broadcast_in_dim3A_793 = vector.shape_cast %broadcast_in_dim3A_792 : vector<1x208xi32> to vector<1x208xi32>
    %broadcast_in_dim3A_794 = vector.broadcast %broadcast_in_dim3A_793 : vector<1x208xi32> to vector<20x208xi32>
    %broadcast_in_dim3A_795 = vector.shape_cast %concatenate3A_791 : vector<208xf32> to vector<1x208xf32>
    %broadcast_in_dim3A_796 = vector.shape_cast %broadcast_in_dim3A_795 : vector<1x208xf32> to vector<1x208xf32>
    %broadcast_in_dim3A_797 = vector.broadcast %broadcast_in_dim3A_796 : vector<1x208xf32> to vector<20x208xf32>
    %gt3A_798 = arith.constant 0.000000e+00 : f32
    %gt3A_799 = vector.broadcast %gt3A_798 : f32 to vector<20x208xf32>
    %gt3A_800 = arith.cmpf ogt, %broadcast_in_dim3A_797, %gt3A_799 : vector<20x208xf32>
    %and3A_801 = arith.constant 15 : i32
    %and3A_802 = vector.broadcast %and3A_801 : i32 to vector<20x208xi32>
    %and3A_803 = arith.andi %iota3A_785, %and3A_802 : vector<20x208xi32>
    %add3A_804 = arith.constant 100000 : i32
    %add3A_805 = vector.broadcast %add3A_804 : i32 to vector<20x208xi32>
    %add3A_806 = arith.addi %add3A_805, %and3A_803 : vector<20x208xi32>
    %select_n3A_807 = arith.select %gt3A_800, %broadcast_in_dim3A_794, %add3A_806 : vector<20x208xi1>, vector<20x208xi32>
    %swap3A_808 = arith.constant 120 : index
    %swap3A_809 = arith.constant 0 : index
    %swap3A_810 = vector.load %arg11[%swap3A_808, %swap3A_809] : memref<160x208xi32, #tpu.memory_space<vmem>>, vector<20x208xi32>
    tpu.vector_store %arg11[%swap3A_808, %swap3A_809], %select_n3A_807 {strides = array<i32>} : memref<160x208xi32, #tpu.memory_space<vmem>>, vector<20x208xi32>,
    %broadcast_in_dim3A_811 = arith.constant 0.000000e+00 : f32
    %broadcast_in_dim3A_812 = vector.broadcast %broadcast_in_dim3A_811 : f32 to vector<20x8xf32>
    %concatenate3A_813 = tpu.concatenate %dot_general3A_723, %broadcast_in_dim3A_812 in 1 : vector<20x200xf32>, vector<20x8xf32> -> vector<20x208xf32>
    %broadcast_in_dim3A_814 = vector.shape_cast %sub3A_768 : vector<20xf32> to vector<20x1xf32>
    %mul3A_815 = vector.broadcast %broadcast_in_dim3A_814 : vector<20x1xf32> to vector<20x208xf32>
    %mul3A_816 = arith.mulf %mul3A_815, %concatenate3A_813 : vector<20x208xf32>
    %mul3A_817 = arith.mulf %mul3A_816, %broadcast_in_dim3A_797 : vector<20x208xf32>
    %swap3A_818 = arith.constant 120 : index
    %swap3A_819 = arith.constant 0 : index
    %swap3A_820 = vector.load %arg12[%swap3A_818, %swap3A_819] : memref<160x208xf32, #tpu.memory_space<vmem>>, vector<20x208xf32>
    tpu.vector_store %arg12[%swap3A_818, %swap3A_819], %mul3A_817 {strides = array<i32>} : memref<160x208xf32, #tpu.memory_space<vmem>>, vector<20x208xf32>,
    %get3A_821 = arith.constant 7 : index
    %get3A_822 = arith.constant 0 : index
    %get3A_823 = vector.load %arg0[%get3A_821, %get3A_822] : memref<8x200xi32, #tpu.memory_space<vmem>>, vector<1x200xi32>
    %get3A_824 = vector.shape_cast %get3A_823 : vector<1x200xi32> to vector<200xi32>
    %broadcast_in_dim3A_825 = vector.shape_cast %get3A_824 : vector<200xi32> to vector<200x1xi32>
    %broadcast_in_dim3A_826 = vector.shape_cast %get3A_824 : vector<200xi32> to vector<1x200xi32>
    %eq3A_827 = vector.broadcast %broadcast_in_dim3A_825 : vector<200x1xi32> to vector<200x200xi32>
    %eq3A_828 = vector.broadcast %broadcast_in_dim3A_826 : vector<1x200xi32> to vector<200x200xi32>
    %eq3A_829 = arith.cmpi eq, %eq3A_827, %eq3A_828 : vector<200x200xi32>
    %convert_element_type3A_830 = arith.extui %eq3A_829 : vector<200x200xi1> to vector<200x200xi32>
    %convert_element_type3A_831 = arith.sitofp %convert_element_type3A_830 : vector<200x200xi32> to vector<200x200xf32>
    %get3A_832 = arith.constant 7 : index
    %get3A_833 = arith.constant 0 : index
    %get3A_834 = arith.constant 0 : index
    %get3A_835 = vector.load %arg1[%get3A_832, %get3A_833, %get3A_834] : memref<8x20x200xf32, #tpu.memory_space<vmem>>, vector<1x20x200xf32>
    %get3A_836 = vector.shape_cast %get3A_835 : vector<1x20x200xf32> to vector<20x200xf32>
    %dot_general3A_837 = arith.constant dense<0.000000e+00> : vector<20x200xf32>
    %dot_general3A_838 = tpu.matmul %get3A_836, %convert_element_type3A_831, %dot_general3A_837 {dimension_numbers = #tpu.dot_dimension_numbers<[1], [0], [0], [1], [0, 0, 1, 1], [], []>, transpose_lhs_hint = false} : vector<20x200xf32>, vector<200x200xf32>, vector<20x200xf32> -> vector<20x200xf32>
    %convert_element_type3A_839 = arith.extui %lt3A : vector<200x200xi1> to vector<200x200xi32>
    %convert_element_type3A_840 = arith.sitofp %convert_element_type3A_839 : vector<200x200xi32> to vector<200x200xf32>
    %mul3A_841 = arith.mulf %convert_element_type3A_831, %convert_element_type3A_840 : vector<200x200xf32>
    %reduce_sum3A_842 = arith.constant dense<0.000000e+00> : vector<200xf32>
    %reduce_sum3A_843 = vector.multi_reduction <add>, %mul3A_841, %reduce_sum3A_842 [0] : vector<200x200xf32> to vector<200xf32>
    %eq3A_844 = arith.constant 0.000000e+00 : f32
    %eq3A_845 = vector.broadcast %eq3A_844 : f32 to vector<200xf32>
    %eq3A_846 = arith.cmpf oeq, %reduce_sum3A_843, %eq3A_845 : vector<200xf32>
    %convert_element_type3A_847 = arith.extui %eq3A_846 : vector<200xi1> to vector<200xi32>
    %convert_element_type3A_848 = arith.sitofp %convert_element_type3A_847 : vector<200xi32> to vector<200xf32>
    %reduce_sum3A_849 = vector.shape_cast %convert_element_type3A_848 : vector<200xf32> to vector<1x200xf32>
    %reduce_sum3A_850 = arith.constant dense<0.000000e+00> : vector<1xf32>
    %reduce_sum3A_851 = vector.multi_reduction <add>, %reduce_sum3A_849, %reduce_sum3A_850 [1] : vector<1x200xf32> to vector<1xf32>
    %reduce_sum3A_852 = vector.shape_cast %reduce_sum3A_851 : vector<1xf32> to vector<1x1xf32>
    %reduce_sum3A_853 = vector.extract %reduce_sum3A_852[0, 0] : f32 from vector<1x1xf32>
    %sub3A_854 = arith.constant 1.000000e+05 : f32
    %sub3A_855 = arith.subf %sub3A_854, %reduce_sum3A_853 : f32
    %reduce_max3A_856 = arith.constant dense<0xFF800000> : vector<20xf32>
    %reduce_max3A_857 = vector.multi_reduction <maximumf>, %dot_general3A_838, %reduce_max3A_856 [1] : vector<20x200xf32> to vector<20xf32>
    %max3A_858 = arith.constant 0.000000e+00 : f32
    %max3A_859 = vector.broadcast %max3A_858 : f32 to vector<20xf32>
    %max3A_860 = arith.maximumf %reduce_max3A_857, %max3A_859 : vector<20xf32>
    %neg3A_861 = arith.constant 0.000000e+00 : f32
    %neg3A_862 = vector.broadcast %neg3A_861 : f32 to vector<20xf32>
    %neg3A_863 = arith.subf %neg3A_862, %max3A_860 : vector<20xf32>
    %exp3A_864 = math.exp %neg3A_863 : vector<20xf32>
    %mul3A_865 = vector.broadcast %sub3A_855 : f32 to vector<20xf32>
    %mul3A_866 = arith.mulf %mul3A_865, %exp3A_864 : vector<20xf32>
    %broadcast_in_dim3A_867 = vector.shape_cast %convert_element_type3A_848 : vector<200xf32> to vector<1x200xf32>
    %broadcast_in_dim3A_868 = vector.shape_cast %max3A_860 : vector<20xf32> to vector<20x1xf32>
    %sub3A_869 = vector.broadcast %broadcast_in_dim3A_868 : vector<20x1xf32> to vector<20x200xf32>
    %sub3A_870 = arith.subf %dot_general3A_838, %sub3A_869 : vector<20x200xf32>
    %exp3A_871 = math.exp %sub3A_870 : vector<20x200xf32>
    %mul3A_872 = vector.broadcast %broadcast_in_dim3A_867 : vector<1x200xf32> to vector<20x200xf32>
    %mul3A_873 = arith.mulf %mul3A_872, %exp3A_871 : vector<20x200xf32>
    %reduce_sum3A_874 = arith.constant dense<0.000000e+00> : vector<20xf32>
    %reduce_sum3A_875 = vector.multi_reduction <add>, %mul3A_873, %reduce_sum3A_874 [1] : vector<20x200xf32> to vector<20xf32>
    %add3A_876 = arith.addf %mul3A_866, %reduce_sum3A_875 : vector<20xf32>
    %log3A_877 = math.log %add3A_876 : vector<20xf32>
    %add3A_878 = arith.addf %max3A_860, %log3A_877 : vector<20xf32>
    %slice3A_879 = vector.extract_strided_slice %logistic3A_32 {offsets = [140, 0], sizes = [20, 1], strides = [1, 1]} : vector<160x1xf32> to vector<20x1xf32>
    %squeeze3A_880 = vector.shape_cast %slice3A_879 : vector<20x1xf32> to vector<20xf32>
    %sub3A_881 = arith.constant 1.000000e+00 : f32
    %sub3A_882 = vector.broadcast %sub3A_881 : f32 to vector<20xf32>
    %sub3A_883 = arith.subf %sub3A_882, %squeeze3A_880 : vector<20xf32>
    %broadcast_in_dim3A_884 = vector.shape_cast %squeeze3A_880 : vector<20xf32> to vector<20x1xf32>
    %broadcast_in_dim3A_885 = vector.shape_cast %broadcast_in_dim3A_884 : vector<20x1xf32> to vector<20x1xf32>
    %broadcast_in_dim3A_886 = vector.broadcast %broadcast_in_dim3A_885 : vector<20x1xf32> to vector<20x16xf32>
    %swap3A_887 = arith.constant 140 : index
    %swap3A_888 = arith.constant 0 : index
    %swap3A_889 = vector.load %arg9[%swap3A_887, %swap3A_888] : memref<160x16xf32, #tpu.memory_space<vmem>>, vector<20x16xf32>
    tpu.vector_store %arg9[%swap3A_887, %swap3A_888], %broadcast_in_dim3A_886 {strides = array<i32>} : memref<160x16xf32, #tpu.memory_space<vmem>>, vector<20x16xf32>,
    %mul3A_890 = arith.mulf %sub3A_883, %add3A_878 : vector<20xf32>
    %neg3A_891 = arith.constant 0.000000e+00 : f32
    %neg3A_892 = vector.broadcast %neg3A_891 : f32 to vector<20xf32>
    %neg3A_893 = arith.subf %neg3A_892, %mul3A_890 : vector<20xf32>
    %broadcast_in_dim3A_894 = vector.shape_cast %neg3A_893 : vector<20xf32> to vector<20x1xf32>
    %broadcast_in_dim3A_895 = vector.shape_cast %broadcast_in_dim3A_894 : vector<20x1xf32> to vector<20x1xf32>
    %broadcast_in_dim3A_896 = vector.broadcast %broadcast_in_dim3A_895 : vector<20x1xf32> to vector<20x16xf32>
    %swap3A_897 = arith.constant 140 : index
    %swap3A_898 = arith.constant 0 : index
    %swap3A_899 = vector.load %arg10[%swap3A_897, %swap3A_898] : memref<160x16xf32, #tpu.memory_space<vmem>>, vector<20x16xf32>
    tpu.vector_store %arg10[%swap3A_897, %swap3A_898], %broadcast_in_dim3A_896 {strides = array<i32>} : memref<160x16xf32, #tpu.memory_space<vmem>>, vector<20x16xf32>,
    %iota3A_900 = tpu.iota {dimensions = array<i32: 1>} : vector<20x208xi32>
    %broadcast_in_dim3A_901 = arith.constant 0 : i32
    %broadcast_in_dim3A_902 = vector.broadcast %broadcast_in_dim3A_901 : i32 to vector<8xi32>
    %concatenate3A_903 = tpu.concatenate %get3A_824, %broadcast_in_dim3A_902 in 0 : vector<200xi32>, vector<8xi32> -> vector<208xi32>
    %broadcast_in_dim3A_904 = arith.constant 0.000000e+00 : f32
    %broadcast_in_dim3A_905 = vector.broadcast %broadcast_in_dim3A_904 : f32 to vector<8xf32>
    %concatenate3A_906 = tpu.concatenate %convert_element_type3A_848, %broadcast_in_dim3A_905 in 0 : vector<200xf32>, vector<8xf32> -> vector<208xf32>
    %broadcast_in_dim3A_907 = vector.shape_cast %concatenate3A_903 : vector<208xi32> to vector<1x208xi32>
    %broadcast_in_dim3A_908 = vector.shape_cast %broadcast_in_dim3A_907 : vector<1x208xi32> to vector<1x208xi32>
    %broadcast_in_dim3A_909 = vector.broadcast %broadcast_in_dim3A_908 : vector<1x208xi32> to vector<20x208xi32>
    %broadcast_in_dim3A_910 = vector.shape_cast %concatenate3A_906 : vector<208xf32> to vector<1x208xf32>
    %broadcast_in_dim3A_911 = vector.shape_cast %broadcast_in_dim3A_910 : vector<1x208xf32> to vector<1x208xf32>
    %broadcast_in_dim3A_912 = vector.broadcast %broadcast_in_dim3A_911 : vector<1x208xf32> to vector<20x208xf32>
    %gt3A_913 = arith.constant 0.000000e+00 : f32
    %gt3A_914 = vector.broadcast %gt3A_913 : f32 to vector<20x208xf32>
    %gt3A_915 = arith.cmpf ogt, %broadcast_in_dim3A_912, %gt3A_914 : vector<20x208xf32>
    %and3A_916 = arith.constant 15 : i32
    %and3A_917 = vector.broadcast %and3A_916 : i32 to vector<20x208xi32>
    %and3A_918 = arith.andi %iota3A_900, %and3A_917 : vector<20x208xi32>
    %add3A_919 = arith.constant 100000 : i32
    %add3A_920 = vector.broadcast %add3A_919 : i32 to vector<20x208xi32>
    %add3A_921 = arith.addi %add3A_920, %and3A_918 : vector<20x208xi32>
    %select_n3A_922 = arith.select %gt3A_915, %broadcast_in_dim3A_909, %add3A_921 : vector<20x208xi1>, vector<20x208xi32>
    %swap3A_923 = arith.constant 140 : index
    %swap3A_924 = arith.constant 0 : index
    %swap3A_925 = vector.load %arg11[%swap3A_923, %swap3A_924] : memref<160x208xi32, #tpu.memory_space<vmem>>, vector<20x208xi32>
    tpu.vector_store %arg11[%swap3A_923, %swap3A_924], %select_n3A_922 {strides = array<i32>} : memref<160x208xi32, #tpu.memory_space<vmem>>, vector<20x208xi32>,
    %broadcast_in_dim3A_926 = arith.constant 0.000000e+00 : f32
    %broadcast_in_dim3A_927 = vector.broadcast %broadcast_in_dim3A_926 : f32 to vector<20x8xf32>
    %concatenate3A_928 = tpu.concatenate %dot_general3A_838, %broadcast_in_dim3A_927 in 1 : vector<20x200xf32>, vector<20x8xf32> -> vector<20x208xf32>
    %broadcast_in_dim3A_929 = vector.shape_cast %sub3A_883 : vector<20xf32> to vector<20x1xf32>
    %mul3A_930 = vector.broadcast %broadcast_in_dim3A_929 : vector<20x1xf32> to vector<20x208xf32>
    %mul3A_931 = arith.mulf %mul3A_930, %concatenate3A_928 : vector<20x208xf32>
    %mul3A_932 = arith.mulf %mul3A_931, %broadcast_in_dim3A_912 : vector<20x208xf32>
    %swap3A_933 = arith.constant 140 : index
    %swap3A_934 = arith.constant 0 : index
    %swap3A_935 = vector.load %arg12[%swap3A_933, %swap3A_934] : memref<160x208xf32, #tpu.memory_space<vmem>>, vector<20x208xf32>
    tpu.vector_store %arg12[%swap3A_933, %swap3A_934], %mul3A_932 {strides = array<i32>} : memref<160x208xf32, #tpu.memory_space<vmem>>, vector<20x208xf32>,
    return
  }
}

</mosaic_0001>

<sc_bundles>
// kernel: kernel.4.cloned.1.call-start
scs
__scs_entry_jumppad:
0x0: {  	(pc) =	sbr.rel $0x88, $3  }
0x1: {  	(tag) =	ssettag $0x0;
	lr =	simm.s32 $0x1  }
0x2: {  	[smem:$0x3F95] =	sst lr;
	_ =	strace $0xD0000000  }
0x3: {  	_ = 	snop  }
0x4: {  	_ = 	snop  }
0x5: {  	_ = 	snop  }
0x6: {  	_ = 	snop  }
0x7: {  	_ = 	snop  }
__scs_overlays_trampoline_lowered:
0x8: {  	[smem:$0x3FA4] =	sst s0  }
0x9: {  	[smem:$0x3FA5] =	sst s1  }
0xa: {  	[smem:$0x3FA6] =	sst s2  }
0xb: {  	[smem:$0x3FA7] =	sst s3  }
0xc: {  	[smem:$0x3FA8] =	sst s4  }
0xd: {  	[smem:$0x3FA9] =	sst s5  }
0xe: {  	[smem:$0x3FAA] =	sst s6  }
0xf: {  	[smem:$0x3FAB] =	sst s7  }
0x10: {  	[smem:$0x3FAC] =	sst s8  }
0x11: {  	[smem:$0x3FAD] =	sst s9;
	s0 =	simm.s32 @!p0 $0x0  }
0x12: {  	s1 =	sld [smem:$0x3F93];
	s0 =	simm.s32 @p0 $0x1  }
0x13: {  	[smem:$0x3FAE] =	sst s0;
	s0 =	simm.s32 @!p1 $0x0  }
0x14: {  	s2 =	sld [smem:$0x3F92];
	s0 =	simm.s32 @p1 $0x1  }
0x15: {  	[smem:$0x3FAF] =	sst s0;
	s0 =	simm.s32 @!p2 $0x0  }
0x16: {  	s3 =	sld [smem:$0x3FDB];
	s0 =	simm.s32 @p2 $0x1  }
0x17: {  	s4 =	simm.s32 $0x1BF5;
	[smem:$0x3FB1] =	sst s0  }
0x18: {  	s0 =	sld [smem:$0x3F94];
	_ =	swait.ge [sflag:s4], $0x0  }
0x19: {  	s7 =	sld [smem:$0x3F95]  }
0x1a: {  	s8 =	sadd.s32 $0xFFFFE003, lr  }
0x1b: {  	s9 =	sadd.s32 $0xFFFFFEF7, lr;
	s5 =	simm.s32 $0xFFFFFFFF;
	p2 =	slt.u32 s8, $0xFFFFF086  }
0x1c: {  	p1 =	slt.u32 s9, $0xF7A;
	s5 =	simm.s32 @!p2 $0x0  }
0x1d: {  	s5 =	simm.s32 @p1 $0x1;
	p0 =	seq.s32 s7, s2  }
0x1e: {  	s7 =	smul.u32 @!p0 $0xF7A, s2;
	p2 =	seq.s32 @!p0 s5, $0x0  }
0x1f: {  	s9 =	smul.u32 $0xF7A, s1;
	s8 =	simm.s32 @!p0 $0x1BF5;
	p2 =	por !p2, p0  }
0x20: {  	[sflag:s8] =	ssyncset.s32 @!p0 $0xFFFFF086;
	s6 =	sadd.s32 @!p0 s3, s7;
	s7 =	simm.s32 @!p0 $0x108  }
0x21: {  	s3 =	sadd.s32 s3, s9;
	s6 =	sadd.s32 @!p0 $0x88, s6;
	s7 =	simm.s32 @p2 $0x1082  }
0x22: {  	[simem:s7], [sflag:s8] =	dma.local @!p0 [hbm:s6], $0xF7A  }
0x23: {  	s9 =	sor.u32 $0xD0000000, s2;
	s6 =	simm.s32 $0x108;
	_ =	swait.ge @!p0 [sflag:s8], $0x0  }
0x24: {  	s3 =	sadd.s32 $0x88, s3;
	s6 =	simm.s32 @!p1 $0x1082;
	[sflag:s4] =	ssyncset.s32 $0xFFFFF086  }
0x25: {  	[simem:s6], [sflag:s4] =	dma.local [hbm:s3], $0xF7A  }
0x26: {  	[smem:$0x3F95] =	sst s1;
	(tag) =	ssettag s2;
	_ =	strace s9  }
0x27: {  	s1 =	sld [smem:$0x3FA5]  }
0x28: {  	s2 =	sld [smem:$0x3FA6]  }
0x29: {  	s4 =	sld [smem:$0x3FA8]  }
0x2a: {  	p0 =	seq.s32 s5, $0x0;
	s5 =	sld [smem:$0x3FA9]  }
0x2b: {  	s6 =	sld [smem:$0x3FAA]  }
0x2c: {  	s7 =	sld [smem:$0x3FAB]  }
0x2d: {  	s3 =	simm.s32 $0x108;
	s8 =	sld [smem:$0x3FAC]  }
0x2e: {  	s3 =	simm.s32 @!p0 $0x1082;
	s9 =	sld [smem:$0x3FAD]  }
0x2f: {  	lr =	sadd.s32 s0, s3;
	s0 =	sld [smem:$0x3FA4]  }
0x30: {  	s3 =	sld [smem:$0x3FA7]  }
0x31: {  	[smem:$0x3FB0] =	sst s10  }
0x32: {  	s10 =	sld [smem:$0x3FAE];
	_ =	sdelay $0x3  }
0x33: {  	p0 =	seq.s32 s10, $0x1;
	s10 =	sld [smem:$0x3FB0];
	_ =	sdelay $0x3  }
0x34: {  	[smem:$0x3FB0] =	sst s10  }
0x35: {  	s10 =	sld [smem:$0x3FAF];
	_ =	sdelay $0x3  }
0x36: {  	p1 =	seq.s32 s10, $0x1;
	s10 =	sld [smem:$0x3FB0];
	_ =	sdelay $0x3  }
0x37: {  	[smem:$0x3FB0] =	sst s10  }
0x38: {  	s10 =	sld [smem:$0x3FB1]  }
0x39: {  	_ = 	snop;
	(pc) =	sbr.ind lr, $3  }
0x3a: {  	_ = 	snop  }
0x3b: {  	_ = 	snop  }
0x3c: {  	p2 =	seq.s32 s10, $0x1;
	s10 =	sld [smem:$0x3FB0]  }
0x3d: {  	_ =	shalt  }
0x3e: {  	_ =	shalt  }
0x3f: {  	_ =	shalt  }
0x40: {  	_ =	shalt  }
0x41: {  	_ =	shalt  }
0x42: {  	_ =	shalt  }
0x43: {  	_ =	shalt  }
0x44: {  	_ =	shalt  }
0x45: {  	_ =	shalt  }
0x46: {  	_ =	shalt  }
0x47: {  	_ =	shalt  }
0x48: {  	_ =	shalt  }
0x49: {  	_ =	shalt  }
0x4a: {  	_ =	shalt  }
0x4b: {  	_ =	shalt  }
0x4c: {  	_ =	shalt  }
0x4d: {  	_ =	shalt  }
0x4e: {  	_ =	shalt  }
0x4f: {  	_ =	shalt  }
0x50: {  	_ =	shalt  }
0x51: {  	_ =	shalt  }
0x52: {  	_ =	shalt  }
0x53: {  	_ =	shalt  }
0x54: {  	_ =	shalt  }
0x55: {  	_ =	shalt  }
0x56: {  	_ =	shalt  }
0x57: {  	_ =	shalt  }
0x58: {  	_ =	shalt  }
0x59: {  	_ =	shalt  }
0x5a: {  	_ =	shalt  }
0x5b: {  	_ =	shalt  }
0x5c: {  	_ =	shalt  }
0x5d: {  	_ =	shalt  }
0x5e: {  	_ =	shalt  }
0x5f: {  	_ =	shalt  }
0x60: {  	_ =	shalt  }
0x61: {  	_ =	shalt  }
0x62: {  	_ =	shalt  }
0x63: {  	_ =	shalt  }
0x64: {  	_ =	shalt  }
0x65: {  	_ =	shalt  }
0x66: {  	_ =	shalt  }
0x67: {  	_ =	shalt  }
0x68: {  	_ =	shalt  }
0x69: {  	_ =	shalt  }
0x6a: {  	_ =	shalt  }
0x6b: {  	_ =	shalt  }
0x6c: {  	_ =	shalt  }
0x6d: {  	_ =	shalt  }
0x6e: {  	_ =	shalt  }
0x6f: {  	_ =	shalt  }
0x70: {  	_ =	shalt  }
0x71: {  	_ =	shalt  }
0x72: {  	_ =	shalt  }
0x73: {  	_ =	shalt  }
0x74: {  	_ =	shalt  }
0x75: {  	_ =	shalt  }
0x76: {  	_ =	shalt  }
0x77: {  	_ =	shalt  }
0x78: {  	_ =	shalt  }
0x79: {  	_ =	shalt  }
0x7a: {  	_ =	shalt  }
0x7b: {  	_ =	shalt  }
0x7c: {  	_ =	shalt  }
0x7d: {  	_ =	shalt  }
0x7e: {  	_ =	shalt  }
0x7f: {  	_ =	shalt  }
0x80: {  	_ =	shalt  }
0x81: {  	_ =	shalt  }
0x82: {  	_ =	shalt  }
0x83: {  	_ =	shalt  }
0x84: {  	_ =	shalt  }
0x85: {  	_ =	shalt  }
0x86: {  	_ =	shalt  }
0x87: {  	_ =	shalt  }
.Lfunc_end0:
.L_simem_size_0:
called_computation_lowered:
.L_overlay_start_0:
0x88: {  	s1 =	sld [smem:$0x3FD9]  }
0x89: {  	s2 =	sld [smem:$0x3FFE];
	_ =	sdelay $0x1  }
0x8a: {  	s3 =	srdreg.scid  }
0x8b: {  	s0 =	sand.u32 $0x1, s3  }
0x8c: {  	s17 =	sshll.u32 s0, $0xA;
	s1 =	sadd.s32 s2, s1  }
0x8d: {  	s1 =	sadd.s32 s1, s17  }
0x8e: {  	[smem:$0x3FBC] =	sst s1  }
0x8f: {  	_ = 	snop  }
0x90: {  	(tm) =	ssettm $0x1  }
0x91: {  	s18 =	sld [smem:$0x3FFB];
	_ =	sdelay $0x3  }
0x92: {  	_ =	strace s18  }
0x93: {  	s1 =	sld [smem:$0x3FFC];
	_ =	sdelay $0x3  }
0x94: {  	_ =	strace s1  }
0x95: {  	s1 =	sld [smem:$0x3FFD];
	_ =	sdelay $0x3  }
0x96: {  	_ =	strace s1  }
0x97: {  	_ =	strace $0x8FFFFFFF  }
0x98: {  	s19 =	sld [smem:$0x3FDB];
	_ =	sdelay $0x1  }
0x99: {  	s20 =	simm.s32 $_scs_section_size  }
0x9a: {  	s4 =	simm.s32 $_size__tile_overlayer_lowered;
	s5 =	simm.s32 $_tile_overlayer_lowered  }
0x9b: {  	s23 =	simm.s32 $0x1BFF;
	s22 =	sshll.u32 s5, $0x1;
	s1 =	sadd.s32 s20, s19  }
0x9c: {  	s6 =	simm.s32 $0x0;
	s21 =	sshll.u32 s4, $0x1;
	s4 =	sadd.s32 s22, s1  }
0x9d: {  	[timem:s6], [sflag:s23] =	dma.local [hbm:s4], s21  }
0x9e: {  	_ =	swait.ge [sflag:s23], s21  }
0x9f: {  	s2 =	ssub.s32 $0x0, s21;
	[sflag:s23] =	ssyncset.done $0x0  }
0xa0: {  	[sflag:s23] =	ssyncadd.s32 s2;
	_ =	sdelay $0x1  }
0xa1: {  	s24 =	simm.s32 $0x1B8B  }
0xa2: {  	_ =	swait.ge [sflag:s24], $0x1  }
0xa3: {  	[sflag:s24] =	ssyncset.done $0x0  }
0xa4: {  	s25 =	simm.s32 $0x1B8E;
	[sflag:s24] =	ssyncadd.s32 $0xFFFFFFFF  }
0xa5: {  	s26 =	simm.s32 $execute0_lowered;
	[smem:$0x3FD2] =	sst s25  }
0xa6: {  	s2 =	sshll.u32 s26, $0x1;
	_ =	strace $0x80000046;
	[dreg:$0x1] =	wrdreg $0xFFFFFFFF  }
0xa7: {  	s28 =	simm.s32 $_size_execute0_lowered;
	s1 =	sadd.s32 s1, s2;
	[dreg:$0x0] =	wrdreg $0x0  }
0xa8: {  	s2 =	sshll.u32 s28, $0x1;
	[dreg:$0x2] =	wrdreg s1  }
0xa9: {  	[dreg:$0x3] =	wrdreg s2  }
0xaa: {  	[dreg:$0x4] =	wrdreg $0xC0  }
0xab: {  	_ =	task [dreg:s6], $0x5FFFF  }
0xac: {  	[dreg:$0x1] =	wrdreg $0xFFFFFFFF  }
0xad: {  	[dreg:$0x0] =	wrdreg $0x60  }
0xae: {  	[dreg:$0x2] =	wrdreg $0x9  }
0xaf: {  	_ =	task.clear_ibuf [dreg:s6], $0x3FFFF;
	_ =	strace $0x90000046  }
0xb0: {  	s29 =	simm.s32 $0x9;
	_ =	strace $0x80000048  }
0xb1: {  	_ =	swait.ge [sflag:s29], $0x1  }
0xb2: {  	[sflag:s29] =	ssyncadd.s32 $0xFFFFFFFF  }
0xb3: {  	_ =	strace $0x90000048  }
0xb4: {  	_ =	sfence  }
0xb5: {  	s30 =	sld [smem:$0x0];
	_ =	sdelay $0x2  }
0xb6: {  	s31 =	sshll.u32 s3, $0xD;
	s3 =	sshrl.u32 s3, $0x2  }
0xb7: {  	s2 =	sand.u32 $0x4000, s31;
	s1 =	sadd.s32 s3, s30  }
0xb8: {  	s0 =	sor.u32 s2, s0;
	s1 =	sshll.u32 s1, $0x11  }
0xb9: {  	s0 =	sor.u32 s1, s0  }
0xba: {  	s0 =	sadd.s32 $0x8F2B, s0  }
0xbb: {  	[sflag:s0] =	ssyncadd.remote.s32 $0x1  }
0xbc: {  	_ =	sfence.sel $0xFFFF  }
0xbd: {  	[dreg:$0x0] =	wrdreg $0xFFFFFFFF;
	(pc) =	sbr.abs _section_cstart, $3  }
0xbe: {  	[dreg:$0x1] =	wrdreg $0xFFFFFFFF  }
0xbf: {  	_ =	task.clear_ibuf [dreg:s6], $0x2FFFF;
	_ =	strace $0x9FFFFFFF  }
0xc0: {  	(tm) =	ssettm $0x7FFFFFFF  }
0xc1: {  	_ =	shalt  }
tec
execute0_lowered:
.L_overlay_start_1:
0x0: {  	(tag) =	ssettag $0x1  }
0x1: {  	s0 =	rddreg [dreg:$0x0];
	_ =	strace $0x80000047  }
0x2: {  	_ =	sfence.sel $0x180000  }
0x3: {  	s1 =	stileid.u32;
	[bflag:$0x0] =	sbarrier.arrive $0xFFFF  }
0x4: {  	p0 =	sne.s32 s1, $0x0;
	_ =	strace $0x90000047  }
0x5: {  	s0 =	sadd.s32 @!p0 $0x100000, s0;
	[bflag:$0x2] =	sbarrier.arrive $0xFFFF  }
0x6: {  	[sflag:s0] =	ssyncadd.tile.s32 @!p0 $0x1;
	_ =	shalt  }
.Lfunc_end2:
_tile_overlayer_lowered:
.L_overlay_start_2:
0x7: {  	(tag) =	ssettag $0x2  }
0x8: {  	s0 =	rddreg [dreg:$0x0];
	s2 =	stileid.u32  }
0x9: {  	s1 =	rddreg [dreg:$0x1];
	p0 =	sne.s32 s2, $0x0  }
0xa: {  	s3 =	rddreg [dreg:$0x2];
	[bflag:$0x3] =	sbarrier.arrive $0xFFFF;
	s2 =	simm.s32 @!p0 $0x1C01  }
0xb: {  	[timem:s3], [sflag:s2] =	dma.local @!p0 [hbm:s0], s1  }
0xc: {  	s0 =	simm.s32 @!p0 $0x1  }
0xd: {  	_ =	swait.ge @!p0 [sflag:s0], s1  }
0xe: {  	s1 =	ssub.s32 @!p0 $0x0, s1;
	[sflag:s0] =	ssyncset.done @!p0 $0x0  }
0xf: {  	[sflag:s0] =	ssyncadd.s32 @!p0 s1  }
0x10: {  	[bflag:$0x3] =	sbarrier.arrive $0xFFFF  }
0x11: {  	_ =	shalt  }

</sc_bundles>
